<compile_context>
chip_gen: v7x
topology: tpu7x:2x2x1
jax: 0.10.2.dev20260603
libtpu: 0.0.44.dev20260713+nightly
codegen_flags: <defaults>
</compile_context>

<pallas_src>
import functools

import jax
import jax.numpy as jnp
from jax import lax
from jax.experimental import pallas as pl
from jax.experimental.pallas import tpu as pltpu
from jax.experimental.pallas import tpu_sc as plsc

B = 16384
D = 128
NC = 2
NS = 16
NW = NC * NS
BPW = B // NW
CHUNK = 128
NCHUNK = BPW // CHUNK
L = 16


def _sc_gather(labels2d, table0, table1):
    mesh = plsc.VectorSubcoreMesh(core_axis_name="c", subcore_axis_name="s")

    @functools.partial(
        pl.kernel,
        out_type=(
            jax.ShapeDtypeStruct((B, 2, D), jnp.float32),
            jax.ShapeDtypeStruct((B, D), jnp.float32),
        ),
        mesh=mesh,
        scratch_types=[
            pltpu.VMEM((NCHUNK, CHUNK), jnp.int32),
            pltpu.VMEM((2, CHUNK, D), jnp.float32),
            pltpu.VMEM((2, CHUNK, D), jnp.float32),
            pltpu.VMEM((2, CHUNK, D), jnp.float32),
            pltpu.SemaphoreType.DMA((2,)),
            pltpu.SemaphoreType.DMA((2,)),
            pltpu.SemaphoreType.DMA((2,)),
            pltpu.SemaphoreType.DMA((2,)),
            pltpu.SemaphoreType.DMA((2,)),
        ],
    )
    def body(labels_ref, t0_ref, t1_ref, emb_ref, s_ref,
             idx_v, r0, r1, rs, sg0, sg1, sw0, sw1, sws):
        wid = lax.axis_index("s") * NC + lax.axis_index("c")
        base = wid * BPW
        pltpu.sync_copy(labels_ref.at[pl.ds(wid * NCHUNK, NCHUNK)], idx_v)

        def fire_gathers(c, p):
            return (
                pltpu.async_copy(t0_ref.at[idx_v.at[c]], r0.at[p], sg0.at[p]),
                pltpu.async_copy(t1_ref.at[idx_v.at[c]], r1.at[p], sg1.at[p]),
            )

        gath = {0: fire_gathers(0, 0)}
        writes = {0: (), 1: ()}
        for c in range(NCHUNK):
            p = c & 1
            q = 1 - p
            for d in writes[q]:
                d.wait()
            writes[q] = ()
            if c + 1 < NCHUNK:
                gath[q] = fire_gathers(c + 1, q)
            gath[p][0].wait()
            gath[p][1].wait()
            b0 = base + c * CHUNK
            w0 = None
            w1 = None

            def add_row(j, _, p=p):
                for cc in range(D // L):
                    sl = pl.ds(cc * L, L)
                    rs[p, j, sl] = r0[p, j, sl] + r1[p, j, sl]
                return 0

            lax.fori_loop(0, CHUNK, add_row, 0)
            ws = pltpu.async_copy(rs.at[p], s_ref.at[pl.ds(b0, CHUNK)], sws.at[p])
            writes[p] = (ws,)
        for pp in (0, 1):
            for d in writes[pp]:
                d.wait()

    return body(labels2d, table0, table1)


def _tc_mlp(s, W1h, b1, W2, b2):
    BLK = 8192

    def mlp(s_ref, w1_ref, b1_ref, w2_ref, b2_ref, out_ref):
        h = jnp.dot(s_ref[...], w1_ref[...], preferred_element_type=jnp.float32)
        h = h + b1_ref[...]
        h = h * jax.nn.sigmoid(h)
        out_ref[...] = (
            jnp.dot(h, w2_ref[...], preferred_element_type=jnp.float32) + b2_ref[...]
        )

    return pl.pallas_call(
        mlp,
        grid=(B // BLK,),
        in_specs=[
            pl.BlockSpec((BLK, D), lambda i: (i, 0)),
            pl.BlockSpec((D, D), lambda i: (0, 0)),
            pl.BlockSpec((1, D), lambda i: (0, 0)),
            pl.BlockSpec((D, D), lambda i: (0, 0)),
            pl.BlockSpec((1, D), lambda i: (0, 0)),
        ],
        out_specs=pl.BlockSpec((BLK, D), lambda i: (i, 0)),
        out_shape=jax.ShapeDtypeStruct((B, D), jnp.float32),
    )(s, W1h, b1, W2, b2)


def kernel(labels, train, table0, table1, W1, b1, W2, b2):
    del train
    labels2d = labels.astype(jnp.int32).reshape(NW * NCHUNK, CHUNK)
    emb, s = _sc_gather(labels2d, table0, table1)
    ge = _tc_mlp(s, W1 * 0.5, b1.reshape(1, D), W2, b2.reshape(1, D))
    return emb, ge

# --- scband reference (transcript-rebuilt; emitter-appended) ---
"""Pipeline reference for scband-multi-token-label-embedder-55499567399400 (READ-ONLY COPY).

The authoritative reference and input builder live on the scoring server;
editing this copy changes nothing except your own understanding.
"""

import jax, jax.numpy as jnp
import numpy as np

B = 16384
V = 100000
D = 128


def setup_inputs(seed: int = 0) -> dict:
    key = jax.random.key(seed)
    ks = jax.random.split(key, 8)
    labels = jax.random.randint(ks[0], (B,), 0, V)
    # num_classes + 1 rows (cfg embedding row since dropout_prob > 0)
    table0 = jax.random.normal(ks[1], (V + 1, D), dtype=jnp.float32) * 0.02
    table1 = jax.random.normal(ks[2], (V + 1, D), dtype=jnp.float32) * 0.02
    W1 = jax.random.normal(ks[3], (D, D), dtype=jnp.float32) * 0.02
    b1 = jnp.zeros((D,), dtype=jnp.float32)
    W2 = jax.random.normal(ks[4], (D, D), dtype=jnp.float32) * 0.02
    b2 = jnp.zeros((D,), dtype=jnp.float32)
    return {"labels": labels, "train": 0, "table0": table0, "table1": table1,
            "W1": W1, "b1": b1, "W2": W2, "b2": b2}


def reference(labels, train, table0, table1, W1, b1, W2, b2):
    # train=False path (no token_drop); force_drop_ids=None
    e0 = jnp.take(table0, labels, axis=0)   # [B, D] gather
    e1 = jnp.take(table1, labels, axis=0)   # [B, D] gather
    # pack 'b * d' over list of [B, D] -> [B, num_embeddings, D]
    embeddings = jnp.stack([e0, e1], axis=1)
    h = embeddings.mean(axis=1)              # [B, D]
    h = h @ W1 + b1
    h = h * jax.nn.sigmoid(h)                # SiLU
    global_embeddings = h @ W2 + b2          # [B, D]
    return (embeddings, global_embeddings)

if __name__ == "__main__":
    import jax
    _d = setup_inputs()
    print(jax.jit(kernel)(*tuple(_d.values())))

</pallas_src>

<mosaic_0001>
#map = affine_map<(d0, d1) -> (0, 0)>
#map1 = affine_map<(d0, d1) -> (0, 0, 0)>
module attributes {stable_mosaic.version = 14 : i64} {
  func.func @body(%arg0: i32, %arg1: i32, %arg2: memref<128x128xi32, #tpu.memory_space<hbm>>, %arg3: memref<100001x128xf32, #tpu.memory_space<hbm>>, %arg4: memref<100001x128xf32, #tpu.memory_space<hbm>>, %arg5: memref<16384x2x128xf32, #tpu.memory_space<hbm>>, %arg6: memref<16384x128xf32, #tpu.memory_space<hbm>>, %arg7: memref<4x128xi32, #tpu.memory_space<vmem>>, %arg8: memref<2x128x128xf32, #tpu.memory_space<vmem>>, %arg9: memref<2x128x128xf32, #tpu.memory_space<vmem>>, %arg10: memref<2x128x128xf32, #tpu.memory_space<vmem>>, %arg11: memref<2x!tpu.dma_semaphore, #tpu.memory_space<semaphore_mem>>, %arg12: memref<2x!tpu.dma_semaphore, #tpu.memory_space<semaphore_mem>>, %arg13: memref<2x!tpu.dma_semaphore, #tpu.memory_space<semaphore_mem>>, %arg14: memref<2x!tpu.dma_semaphore, #tpu.memory_space<semaphore_mem>>, %arg15: memref<2x!tpu.dma_semaphore, #tpu.memory_space<semaphore_mem>>) attributes {dimension_semantics = [#tpu.dimension_semantics<core_parallel>, #tpu.dimension_semantics<subcore_parallel>], iteration_bounds = array<i64: 2, 16>, scalar_prefetch = 0 : i64, scratch_operands = 9 : i64, tpu.core_type = #tpu.core_type<sc_vector_subcore>, window_params = [{transform_indices = #map}, {transform_indices = #map}, {transform_indices = #map}, {transform_indices = #map1}, {transform_indices = #map}]} {
    %mul3A = arith.constant 2 : i32
    %mul3A_0 = arith.muli %arg1, %mul3A : i32
    %add3A = arith.addi %mul3A_0, %arg0 : i32
    %mul3A_1 = arith.constant 512 : i32
    %mul3A_2 = arith.muli %add3A, %mul3A_1 : i32
    %mul3A_3 = arith.constant 4 : i32
    %mul3A_4 = arith.muli %add3A, %mul3A_3 : i32
    "tpu.region"() ({
      %run_scoped3A = tpu.sem_alloc : memref<!tpu.dma_semaphore, #tpu.memory_space<semaphore_mem>>
      %dma_start3A_406 = arith.constant 0 : i32
      %dma_start3A_407 = tpu.memref_slice %arg2[%mul3A_4, %dma_start3A_406] : memref<128x128xi32, #tpu.memory_space<hbm>> -> memref<4x128xi32, #tpu.memory_space<hbm>>
      %dma_start3A_408 = arith.constant 0 : i32
      %dma_start3A_409 = tpu.memref_slice %arg2[%mul3A_4, %dma_start3A_408] : memref<128x128xi32, #tpu.memory_space<hbm>> -> memref<4x128xi32, #tpu.memory_space<hbm>>
      tpu.enqueue_dma source(%dma_start3A_409 : memref<4x128xi32, #tpu.memory_space<hbm>>) target(%arg7 : memref<4x128xi32, #tpu.memory_space<vmem>>) target_semaphore(%run_scoped3A : memref<!tpu.dma_semaphore, #tpu.memory_space<semaphore_mem>>)
      %dma_wait3A_410 = arith.constant 0 : i32
      %dma_wait3A_411 = tpu.memref_slice %arg2[%mul3A_4, %dma_wait3A_410] : memref<128x128xi32, #tpu.memory_space<hbm>> -> memref<4x128xi32, #tpu.memory_space<hbm>>
      %dma_wait3A_412 = arith.constant 0 : i32
      %dma_wait3A_413 = tpu.memref_slice %arg2[%mul3A_4, %dma_wait3A_412] : memref<128x128xi32, #tpu.memory_space<hbm>> -> memref<4x128xi32, #tpu.memory_space<hbm>>
      tpu.wait_dma2 semaphore(%run_scoped3A : memref<!tpu.dma_semaphore, #tpu.memory_space<semaphore_mem>>) src(%dma_wait3A_413 : memref<4x128xi32, #tpu.memory_space<hbm>>) dst(%arg7 : memref<4x128xi32, #tpu.memory_space<vmem>>)
      tpu.yield
    }) : () -> ()
    %dma_start3A = arith.constant 0 : i32
    %dma_start3A_5 = arith.constant 0 : i32
    %dma_start3A_6 = arith.constant 0 : i32
    %dma_start3A_7 = arith.constant 0 : i32
    %dma_start3A_8 = arith.constant 0 : i32
    %dma_start3A_9 = tpu.memref_slice %arg8[%dma_start3A_5, %dma_start3A_7, %dma_start3A_8] : memref<2x128x128xf32, #tpu.memory_space<vmem>> -> memref<1x128x128xf32, #tpu.memory_space<vmem>>
    %dma_start3A_10 = tpu.memref_squeeze %dma_start3A_9 : memref<1x128x128xf32, #tpu.memory_space<vmem>> -> memref<128x128xf32, #tpu.memory_space<vmem>>
    %dma_start3A_11 = arith.constant 0 : i32
    %dma_start3A_12 = tpu.memref_slice %arg7[%dma_start3A, %dma_start3A_11] : memref<4x128xi32, #tpu.memory_space<vmem>> -> memref<1x128xi32, #tpu.memory_space<vmem>>
    %dma_start3A_13 = tpu.memref_squeeze %dma_start3A_12 : memref<1x128xi32, #tpu.memory_space<vmem>> -> memref<128xi32, #tpu.memory_space<vmem>>
    %dma_start3A_14 = arith.constant 0 : i32
    %dma_start3A_15 = arith.constant 0 : i32
    %dma_start3A_16 = tpu.memref_slice %arg3[%dma_start3A_14, %dma_start3A_15] : memref<100001x128xf32, #tpu.memory_space<hbm>> -> memref<100001x128xf32, #tpu.memory_space<hbm>>
    %dma_start3A_17 = tpu.memref_slice %arg11[%dma_start3A_6] : memref<2x!tpu.dma_semaphore, #tpu.memory_space<semaphore_mem>> -> memref<1x!tpu.dma_semaphore, #tpu.memory_space<semaphore_mem>>
    %dma_start3A_18 = tpu.memref_squeeze %dma_start3A_17 : memref<1x!tpu.dma_semaphore, #tpu.memory_space<semaphore_mem>> -> memref<!tpu.dma_semaphore, #tpu.memory_space<semaphore_mem>>
    tpu.enqueue_indirect_dma source(%dma_start3A_16 : memref<100001x128xf32, #tpu.memory_space<hbm>>) target(%dma_start3A_10 : memref<128x128xf32, #tpu.memory_space<vmem>>) offsets(%dma_start3A_13 : memref<128xi32, #tpu.memory_space<vmem>>) semaphore(%dma_start3A_18 : memref<!tpu.dma_semaphore, #tpu.memory_space<semaphore_mem>>)
    %dma_start3A_19 = arith.constant 0 : i32
    %dma_start3A_20 = arith.constant 0 : i32
    %dma_start3A_21 = arith.constant 0 : i32
    %dma_start3A_22 = arith.constant 0 : i32
    %dma_start3A_23 = arith.constant 0 : i32
    %dma_start3A_24 = tpu.memref_slice %arg9[%dma_start3A_20, %dma_start3A_22, %dma_start3A_23] : memref<2x128x128xf32, #tpu.memory_space<vmem>> -> memref<1x128x128xf32, #tpu.memory_space<vmem>>
    %dma_start3A_25 = tpu.memref_squeeze %dma_start3A_24 : memref<1x128x128xf32, #tpu.memory_space<vmem>> -> memref<128x128xf32, #tpu.memory_space<vmem>>
    %dma_start3A_26 = arith.constant 0 : i32
    %dma_start3A_27 = tpu.memref_slice %arg7[%dma_start3A_19, %dma_start3A_26] : memref<4x128xi32, #tpu.memory_space<vmem>> -> memref<1x128xi32, #tpu.memory_space<vmem>>
    %dma_start3A_28 = tpu.memref_squeeze %dma_start3A_27 : memref<1x128xi32, #tpu.memory_space<vmem>> -> memref<128xi32, #tpu.memory_space<vmem>>
    %dma_start3A_29 = arith.constant 0 : i32
    %dma_start3A_30 = arith.constant 0 : i32
    %dma_start3A_31 = tpu.memref_slice %arg4[%dma_start3A_29, %dma_start3A_30] : memref<100001x128xf32, #tpu.memory_space<hbm>> -> memref<100001x128xf32, #tpu.memory_space<hbm>>
    %dma_start3A_32 = tpu.memref_slice %arg12[%dma_start3A_21] : memref<2x!tpu.dma_semaphore, #tpu.memory_space<semaphore_mem>> -> memref<1x!tpu.dma_semaphore, #tpu.memory_space<semaphore_mem>>
    %dma_start3A_33 = tpu.memref_squeeze %dma_start3A_32 : memref<1x!tpu.dma_semaphore, #tpu.memory_space<semaphore_mem>> -> memref<!tpu.dma_semaphore, #tpu.memory_space<semaphore_mem>>
    tpu.enqueue_indirect_dma source(%dma_start3A_31 : memref<100001x128xf32, #tpu.memory_space<hbm>>) target(%dma_start3A_25 : memref<128x128xf32, #tpu.memory_space<vmem>>) offsets(%dma_start3A_28 : memref<128xi32, #tpu.memory_space<vmem>>) semaphore(%dma_start3A_33 : memref<!tpu.dma_semaphore, #tpu.memory_space<semaphore_mem>>)
    %dma_start3A_34 = arith.constant 1 : i32
    %dma_start3A_35 = arith.constant 1 : i32
    %dma_start3A_36 = arith.constant 1 : i32
    %dma_start3A_37 = arith.constant 0 : i32
    %dma_start3A_38 = arith.constant 0 : i32
    %dma_start3A_39 = tpu.memref_slice %arg8[%dma_start3A_35, %dma_start3A_37, %dma_start3A_38] : memref<2x128x128xf32, #tpu.memory_space<vmem>> -> memref<1x128x128xf32, #tpu.memory_space<vmem>>
    %dma_start3A_40 = tpu.memref_squeeze %dma_start3A_39 : memref<1x128x128xf32, #tpu.memory_space<vmem>> -> memref<128x128xf32, #tpu.memory_space<vmem>>
    %dma_start3A_41 = arith.constant 0 : i32
    %dma_start3A_42 = tpu.memref_slice %arg7[%dma_start3A_34, %dma_start3A_41] : memref<4x128xi32, #tpu.memory_space<vmem>> -> memref<1x128xi32, #tpu.memory_space<vmem>>
    %dma_start3A_43 = tpu.memref_squeeze %dma_start3A_42 : memref<1x128xi32, #tpu.memory_space<vmem>> -> memref<128xi32, #tpu.memory_space<vmem>>
    %dma_start3A_44 = arith.constant 0 : i32
    %dma_start3A_45 = arith.constant 0 : i32
    %dma_start3A_46 = tpu.memref_slice %arg3[%dma_start3A_44, %dma_start3A_45] : memref<100001x128xf32, #tpu.memory_space<hbm>> -> memref<100001x128xf32, #tpu.memory_space<hbm>>
    %dma_start3A_47 = tpu.memref_slice %arg11[%dma_start3A_36] : memref<2x!tpu.dma_semaphore, #tpu.memory_space<semaphore_mem>> -> memref<1x!tpu.dma_semaphore, #tpu.memory_space<semaphore_mem>>
    %dma_start3A_48 = tpu.memref_squeeze %dma_start3A_47 : memref<1x!tpu.dma_semaphore, #tpu.memory_space<semaphore_mem>> -> memref<!tpu.dma_semaphore, #tpu.memory_space<semaphore_mem>>
    tpu.enqueue_indirect_dma source(%dma_start3A_46 : memref<100001x128xf32, #tpu.memory_space<hbm>>) target(%dma_start3A_40 : memref<128x128xf32, #tpu.memory_space<vmem>>) offsets(%dma_start3A_43 : memref<128xi32, #tpu.memory_space<vmem>>) semaphore(%dma_start3A_48 : memref<!tpu.dma_semaphore, #tpu.memory_space<semaphore_mem>>)
    %dma_start3A_49 = arith.constant 1 : i32
    %dma_start3A_50 = arith.constant 1 : i32
    %dma_start3A_51 = arith.constant 1 : i32
    %dma_start3A_52 = arith.constant 0 : i32
    %dma_start3A_53 = arith.constant 0 : i32
    %dma_start3A_54 = tpu.memref_slice %arg9[%dma_start3A_50, %dma_start3A_52, %dma_start3A_53] : memref<2x128x128xf32, #tpu.memory_space<vmem>> -> memref<1x128x128xf32, #tpu.memory_space<vmem>>
    %dma_start3A_55 = tpu.memref_squeeze %dma_start3A_54 : memref<1x128x128xf32, #tpu.memory_space<vmem>> -> memref<128x128xf32, #tpu.memory_space<vmem>>
    %dma_start3A_56 = arith.constant 0 : i32
    %dma_start3A_57 = tpu.memref_slice %arg7[%dma_start3A_49, %dma_start3A_56] : memref<4x128xi32, #tpu.memory_space<vmem>> -> memref<1x128xi32, #tpu.memory_space<vmem>>
    %dma_start3A_58 = tpu.memref_squeeze %dma_start3A_57 : memref<1x128xi32, #tpu.memory_space<vmem>> -> memref<128xi32, #tpu.memory_space<vmem>>
    %dma_start3A_59 = arith.constant 0 : i32
    %dma_start3A_60 = arith.constant 0 : i32
    %dma_start3A_61 = tpu.memref_slice %arg4[%dma_start3A_59, %dma_start3A_60] : memref<100001x128xf32, #tpu.memory_space<hbm>> -> memref<100001x128xf32, #tpu.memory_space<hbm>>
    %dma_start3A_62 = tpu.memref_slice %arg12[%dma_start3A_51] : memref<2x!tpu.dma_semaphore, #tpu.memory_space<semaphore_mem>> -> memref<1x!tpu.dma_semaphore, #tpu.memory_space<semaphore_mem>>
    %dma_start3A_63 = tpu.memref_squeeze %dma_start3A_62 : memref<1x!tpu.dma_semaphore, #tpu.memory_space<semaphore_mem>> -> memref<!tpu.dma_semaphore, #tpu.memory_space<semaphore_mem>>
    tpu.enqueue_indirect_dma source(%dma_start3A_61 : memref<100001x128xf32, #tpu.memory_space<hbm>>) target(%dma_start3A_55 : memref<128x128xf32, #tpu.memory_space<vmem>>) offsets(%dma_start3A_58 : memref<128xi32, #tpu.memory_space<vmem>>) semaphore(%dma_start3A_63 : memref<!tpu.dma_semaphore, #tpu.memory_space<semaphore_mem>>)
    %dma_wait3A = arith.constant 0 : i32
    %dma_wait3A_64 = arith.constant 0 : i32
    %dma_wait3A_65 = arith.constant 0 : i32
    %dma_wait3A_66 = arith.constant 0 : i32
    %dma_wait3A_67 = arith.constant 0 : i32
    %dma_wait3A_68 = tpu.memref_slice %arg8[%dma_wait3A_64, %dma_wait3A_66, %dma_wait3A_67] : memref<2x128x128xf32, #tpu.memory_space<vmem>> -> memref<1x128x128xf32, #tpu.memory_space<vmem>>
    %dma_wait3A_69 = tpu.memref_squeeze %dma_wait3A_68 : memref<1x128x128xf32, #tpu.memory_space<vmem>> -> memref<128x128xf32, #tpu.memory_space<vmem>>
    %dma_wait3A_70 = arith.constant 0 : i32
    %dma_wait3A_71 = tpu.memref_slice %arg7[%dma_wait3A, %dma_wait3A_70] : memref<4x128xi32, #tpu.memory_space<vmem>> -> memref<1x128xi32, #tpu.memory_space<vmem>>
    %dma_wait3A_72 = tpu.memref_squeeze %dma_wait3A_71 : memref<1x128xi32, #tpu.memory_space<vmem>> -> memref<128xi32, #tpu.memory_space<vmem>>
    %dma_wait3A_73 = arith.constant 0 : i32
    %dma_wait3A_74 = arith.constant 0 : i32
    %dma_wait3A_75 = tpu.memref_slice %arg3[%dma_wait3A_73, %dma_wait3A_74] : memref<100001x128xf32, #tpu.memory_space<hbm>> -> memref<100001x128xf32, #tpu.memory_space<hbm>>
    %dma_wait3A_76 = tpu.memref_slice %arg11[%dma_wait3A_65] : memref<2x!tpu.dma_semaphore, #tpu.memory_space<semaphore_mem>> -> memref<1x!tpu.dma_semaphore, #tpu.memory_space<semaphore_mem>>
    %dma_wait3A_77 = tpu.memref_squeeze %dma_wait3A_76 : memref<1x!tpu.dma_semaphore, #tpu.memory_space<semaphore_mem>> -> memref<!tpu.dma_semaphore, #tpu.memory_space<semaphore_mem>>
    tpu.wait_indirect_dma semaphore(%dma_wait3A_77 : memref<!tpu.dma_semaphore, #tpu.memory_space<semaphore_mem>>) src(%dma_wait3A_75 : memref<100001x128xf32, #tpu.memory_space<hbm>>) dst(%dma_wait3A_69 : memref<128x128xf32, #tpu.memory_space<vmem>>)
    %dma_wait3A_78 = arith.constant 0 : i32
    %dma_wait3A_79 = arith.constant 0 : i32
    %dma_wait3A_80 = arith.constant 0 : i32
    %dma_wait3A_81 = arith.constant 0 : i32
    %dma_wait3A_82 = arith.constant 0 : i32
    %dma_wait3A_83 = tpu.memref_slice %arg9[%dma_wait3A_79, %dma_wait3A_81, %dma_wait3A_82] : memref<2x128x128xf32, #tpu.memory_space<vmem>> -> memref<1x128x128xf32, #tpu.memory_space<vmem>>
    %dma_wait3A_84 = tpu.memref_squeeze %dma_wait3A_83 : memref<1x128x128xf32, #tpu.memory_space<vmem>> -> memref<128x128xf32, #tpu.memory_space<vmem>>
    %dma_wait3A_85 = arith.constant 0 : i32
    %dma_wait3A_86 = tpu.memref_slice %arg7[%dma_wait3A_78, %dma_wait3A_85] : memref<4x128xi32, #tpu.memory_space<vmem>> -> memref<1x128xi32, #tpu.memory_space<vmem>>
    %dma_wait3A_87 = tpu.memref_squeeze %dma_wait3A_86 : memref<1x128xi32, #tpu.memory_space<vmem>> -> memref<128xi32, #tpu.memory_space<vmem>>
    %dma_wait3A_88 = arith.constant 0 : i32
    %dma_wait3A_89 = arith.constant 0 : i32
    %dma_wait3A_90 = tpu.memref_slice %arg4[%dma_wait3A_88, %dma_wait3A_89] : memref<100001x128xf32, #tpu.memory_space<hbm>> -> memref<100001x128xf32, #tpu.memory_space<hbm>>
    %dma_wait3A_91 = tpu.memref_slice %arg12[%dma_wait3A_80] : memref<2x!tpu.dma_semaphore, #tpu.memory_space<semaphore_mem>> -> memref<1x!tpu.dma_semaphore, #tpu.memory_space<semaphore_mem>>
    %dma_wait3A_92 = tpu.memref_squeeze %dma_wait3A_91 : memref<1x!tpu.dma_semaphore, #tpu.memory_space<semaphore_mem>> -> memref<!tpu.dma_semaphore, #tpu.memory_space<semaphore_mem>>
    tpu.wait_indirect_dma semaphore(%dma_wait3A_92 : memref<!tpu.dma_semaphore, #tpu.memory_space<semaphore_mem>>) src(%dma_wait3A_90 : memref<100001x128xf32, #tpu.memory_space<hbm>>) dst(%dma_wait3A_84 : memref<128x128xf32, #tpu.memory_space<vmem>>)
    %add3A_93 = arith.constant 0 : i32
    %add3A_94 = arith.addi %mul3A_2, %add3A_93 : i32
    %scan3A = arith.constant 0 : i32
    %scan3A_95 = arith.constant 0 : i32
    %scan3A_96 = arith.constant 128 : i32
    %scan3A_97 = arith.addi %scan3A_95, %scan3A_96 : i32
    %scan3A_98 = arith.constant 1 : i32
    %scan3A_99 = scf.for %scan3A_406 = %scan3A_95 to %scan3A_97 step %scan3A_98 iter_args(%scan3A_407 = %scan3A) -> (i32)  : i32 {
      %get3A = arith.constant 0 : i32
      %get3A_408 = arith.index_cast %get3A : i32 to index
      %get3A_409 = arith.index_cast %scan3A_406 : i32 to index
      %get3A_410 = arith.constant 0 : index
      %get3A_411 = tpu.vector_load %arg8[%get3A_408, %get3A_409, %get3A_410] {strides = array<i32>} : memref<2x128x128xf32, #tpu.memory_space<vmem>>, vector<1x1x16xf32>,
      %get3A_412 = vector.shape_cast %get3A_411 : vector<1x1x16xf32> to vector<16xf32>
      %get3A_413 = arith.constant 0 : i32
      %get3A_414 = arith.index_cast %get3A_413 : i32 to index
      %get3A_415 = arith.index_cast %scan3A_406 : i32 to index
      %get3A_416 = arith.constant 0 : index
      %get3A_417 = tpu.vector_load %arg9[%get3A_414, %get3A_415, %get3A_416] {strides = array<i32>} : memref<2x128x128xf32, #tpu.memory_space<vmem>>, vector<1x1x16xf32>,
      %get3A_418 = vector.shape_cast %get3A_417 : vector<1x1x16xf32> to vector<16xf32>
      %add3A_419 = arith.addf %get3A_412, %get3A_418 : vector<16xf32>
      %swap3A = arith.constant 0 : i32
      %swap3A_420 = arith.index_cast %swap3A : i32 to index
      %swap3A_421 = arith.index_cast %scan3A_406 : i32 to index
      %swap3A_422 = arith.constant 0 : index
      %swap3A_423 = tpu.vector_load %arg10[%swap3A_420, %swap3A_421, %swap3A_422] {strides = array<i32>} : memref<2x128x128xf32, #tpu.memory_space<vmem>>, vector<1x1x16xf32>,
      %swap3A_424 = vector.shape_cast %swap3A_423 : vector<1x1x16xf32> to vector<16xf32>
      %swap3A_425 = vector.shape_cast %add3A_419 : vector<16xf32> to vector<1x1x16xf32>
      tpu.vector_store %arg10[%swap3A_420, %swap3A_421, %swap3A_422], %swap3A_425 {strides = array<i32>} : memref<2x128x128xf32, #tpu.memory_space<vmem>>, vector<1x1x16xf32>,
      %get3A_426 = arith.constant 0 : i32
      %get3A_427 = arith.index_cast %get3A_426 : i32 to index
      %get3A_428 = arith.index_cast %scan3A_406 : i32 to index
      %get3A_429 = arith.constant 16 : index
      %get3A_430 = tpu.vector_load %arg8[%get3A_427, %get3A_428, %get3A_429] {strides = array<i32>} : memref<2x128x128xf32, #tpu.memory_space<vmem>>, vector<1x1x16xf32>,
      %get3A_431 = vector.shape_cast %get3A_430 : vector<1x1x16xf32> to vector<16xf32>
      %get3A_432 = arith.constant 0 : i32
      %get3A_433 = arith.index_cast %get3A_432 : i32 to index
      %get3A_434 = arith.index_cast %scan3A_406 : i32 to index
      %get3A_435 = arith.constant 16 : index
      %get3A_436 = tpu.vector_load %arg9[%get3A_433, %get3A_434, %get3A_435] {strides = array<i32>} : memref<2x128x128xf32, #tpu.memory_space<vmem>>, vector<1x1x16xf32>,
      %get3A_437 = vector.shape_cast %get3A_436 : vector<1x1x16xf32> to vector<16xf32>
      %add3A_438 = arith.addf %get3A_431, %get3A_437 : vector<16xf32>
      %swap3A_439 = arith.constant 0 : i32
      %swap3A_440 = arith.index_cast %swap3A_439 : i32 to index
      %swap3A_441 = arith.index_cast %scan3A_406 : i32 to index
      %swap3A_442 = arith.constant 16 : index
      %swap3A_443 = tpu.vector_load %arg10[%swap3A_440, %swap3A_441, %swap3A_442] {strides = array<i32>} : memref<2x128x128xf32, #tpu.memory_space<vmem>>, vector<1x1x16xf32>,
      %swap3A_444 = vector.shape_cast %swap3A_443 : vector<1x1x16xf32> to vector<16xf32>
      %swap3A_445 = vector.shape_cast %add3A_438 : vector<16xf32> to vector<1x1x16xf32>
      tpu.vector_store %arg10[%swap3A_440, %swap3A_441, %swap3A_442], %swap3A_445 {strides = array<i32>} : memref<2x128x128xf32, #tpu.memory_space<vmem>>, vector<1x1x16xf32>,
      %get3A_446 = arith.constant 0 : i32
      %get3A_447 = arith.index_cast %get3A_446 : i32 to index
      %get3A_448 = arith.index_cast %scan3A_406 : i32 to index
      %get3A_449 = arith.constant 32 : index
      %get3A_450 = tpu.vector_load %arg8[%get3A_447, %get3A_448, %get3A_449] {strides = array<i32>} : memref<2x128x128xf32, #tpu.memory_space<vmem>>, vector<1x1x16xf32>,
      %get3A_451 = vector.shape_cast %get3A_450 : vector<1x1x16xf32> to vector<16xf32>
      %get3A_452 = arith.constant 0 : i32
      %get3A_453 = arith.index_cast %get3A_452 : i32 to index
      %get3A_454 = arith.index_cast %scan3A_406 : i32 to index
      %get3A_455 = arith.constant 32 : index
      %get3A_456 = tpu.vector_load %arg9[%get3A_453, %get3A_454, %get3A_455] {strides = array<i32>} : memref<2x128x128xf32, #tpu.memory_space<vmem>>, vector<1x1x16xf32>,
      %get3A_457 = vector.shape_cast %get3A_456 : vector<1x1x16xf32> to vector<16xf32>
      %add3A_458 = arith.addf %get3A_451, %get3A_457 : vector<16xf32>
      %swap3A_459 = arith.constant 0 : i32
      %swap3A_460 = arith.index_cast %swap3A_459 : i32 to index
      %swap3A_461 = arith.index_cast %scan3A_406 : i32 to index
      %swap3A_462 = arith.constant 32 : index
      %swap3A_463 = tpu.vector_load %arg10[%swap3A_460, %swap3A_461, %swap3A_462] {strides = array<i32>} : memref<2x128x128xf32, #tpu.memory_space<vmem>>, vector<1x1x16xf32>,
      %swap3A_464 = vector.shape_cast %swap3A_463 : vector<1x1x16xf32> to vector<16xf32>
      %swap3A_465 = vector.shape_cast %add3A_458 : vector<16xf32> to vector<1x1x16xf32>
      tpu.vector_store %arg10[%swap3A_460, %swap3A_461, %swap3A_462], %swap3A_465 {strides = array<i32>} : memref<2x128x128xf32, #tpu.memory_space<vmem>>, vector<1x1x16xf32>,
      %get3A_466 = arith.constant 0 : i32
      %get3A_467 = arith.index_cast %get3A_466 : i32 to index
      %get3A_468 = arith.index_cast %scan3A_406 : i32 to index
      %get3A_469 = arith.constant 48 : index
      %get3A_470 = tpu.vector_load %arg8[%get3A_467, %get3A_468, %get3A_469] {strides = array<i32>} : memref<2x128x128xf32, #tpu.memory_space<vmem>>, vector<1x1x16xf32>,
      %get3A_471 = vector.shape_cast %get3A_470 : vector<1x1x16xf32> to vector<16xf32>
      %get3A_472 = arith.constant 0 : i32
      %get3A_473 = arith.index_cast %get3A_472 : i32 to index
      %get3A_474 = arith.index_cast %scan3A_406 : i32 to index
      %get3A_475 = arith.constant 48 : index
      %get3A_476 = tpu.vector_load %arg9[%get3A_473, %get3A_474, %get3A_475] {strides = array<i32>} : memref<2x128x128xf32, #tpu.memory_space<vmem>>, vector<1x1x16xf32>,
      %get3A_477 = vector.shape_cast %get3A_476 : vector<1x1x16xf32> to vector<16xf32>
      %add3A_478 = arith.addf %get3A_471, %get3A_477 : vector<16xf32>
      %swap3A_479 = arith.constant 0 : i32
      %swap3A_480 = arith.index_cast %swap3A_479 : i32 to index
      %swap3A_481 = arith.index_cast %scan3A_406 : i32 to index
      %swap3A_482 = arith.constant 48 : index
      %swap3A_483 = tpu.vector_load %arg10[%swap3A_480, %swap3A_481, %swap3A_482] {strides = array<i32>} : memref<2x128x128xf32, #tpu.memory_space<vmem>>, vector<1x1x16xf32>,
      %swap3A_484 = vector.shape_cast %swap3A_483 : vector<1x1x16xf32> to vector<16xf32>
      %swap3A_485 = vector.shape_cast %add3A_478 : vector<16xf32> to vector<1x1x16xf32>
      tpu.vector_store %arg10[%swap3A_480, %swap3A_481, %swap3A_482], %swap3A_485 {strides = array<i32>} : memref<2x128x128xf32, #tpu.memory_space<vmem>>, vector<1x1x16xf32>,
      %get3A_486 = arith.constant 0 : i32
      %get3A_487 = arith.index_cast %get3A_486 : i32 to index
      %get3A_488 = arith.index_cast %scan3A_406 : i32 to index
      %get3A_489 = arith.constant 64 : index
      %get3A_490 = tpu.vector_load %arg8[%get3A_487, %get3A_488, %get3A_489] {strides = array<i32>} : memref<2x128x128xf32, #tpu.memory_space<vmem>>, vector<1x1x16xf32>,
      %get3A_491 = vector.shape_cast %get3A_490 : vector<1x1x16xf32> to vector<16xf32>
      %get3A_492 = arith.constant 0 : i32
      %get3A_493 = arith.index_cast %get3A_492 : i32 to index
      %get3A_494 = arith.index_cast %scan3A_406 : i32 to index
      %get3A_495 = arith.constant 64 : index
      %get3A_496 = tpu.vector_load %arg9[%get3A_493, %get3A_494, %get3A_495] {strides = array<i32>} : memref<2x128x128xf32, #tpu.memory_space<vmem>>, vector<1x1x16xf32>,
      %get3A_497 = vector.shape_cast %get3A_496 : vector<1x1x16xf32> to vector<16xf32>
      %add3A_498 = arith.addf %get3A_491, %get3A_497 : vector<16xf32>
      %swap3A_499 = arith.constant 0 : i32
      %swap3A_500 = arith.index_cast %swap3A_499 : i32 to index
      %swap3A_501 = arith.index_cast %scan3A_406 : i32 to index
      %swap3A_502 = arith.constant 64 : index
      %swap3A_503 = tpu.vector_load %arg10[%swap3A_500, %swap3A_501, %swap3A_502] {strides = array<i32>} : memref<2x128x128xf32, #tpu.memory_space<vmem>>, vector<1x1x16xf32>,
      %swap3A_504 = vector.shape_cast %swap3A_503 : vector<1x1x16xf32> to vector<16xf32>
      %swap3A_505 = vector.shape_cast %add3A_498 : vector<16xf32> to vector<1x1x16xf32>
      tpu.vector_store %arg10[%swap3A_500, %swap3A_501, %swap3A_502], %swap3A_505 {strides = array<i32>} : memref<2x128x128xf32, #tpu.memory_space<vmem>>, vector<1x1x16xf32>,
      %get3A_506 = arith.constant 0 : i32
      %get3A_507 = arith.index_cast %get3A_506 : i32 to index
      %get3A_508 = arith.index_cast %scan3A_406 : i32 to index
      %get3A_509 = arith.constant 80 : index
      %get3A_510 = tpu.vector_load %arg8[%get3A_507, %get3A_508, %get3A_509] {strides = array<i32>} : memref<2x128x128xf32, #tpu.memory_space<vmem>>, vector<1x1x16xf32>,
      %get3A_511 = vector.shape_cast %get3A_510 : vector<1x1x16xf32> to vector<16xf32>
      %get3A_512 = arith.constant 0 : i32
      %get3A_513 = arith.index_cast %get3A_512 : i32 to index
      %get3A_514 = arith.index_cast %scan3A_406 : i32 to index
      %get3A_515 = arith.constant 80 : index
      %get3A_516 = tpu.vector_load %arg9[%get3A_513, %get3A_514, %get3A_515] {strides = array<i32>} : memref<2x128x128xf32, #tpu.memory_space<vmem>>, vector<1x1x16xf32>,
      %get3A_517 = vector.shape_cast %get3A_516 : vector<1x1x16xf32> to vector<16xf32>
      %add3A_518 = arith.addf %get3A_511, %get3A_517 : vector<16xf32>
      %swap3A_519 = arith.constant 0 : i32
      %swap3A_520 = arith.index_cast %swap3A_519 : i32 to index
      %swap3A_521 = arith.index_cast %scan3A_406 : i32 to index
      %swap3A_522 = arith.constant 80 : index
      %swap3A_523 = tpu.vector_load %arg10[%swap3A_520, %swap3A_521, %swap3A_522] {strides = array<i32>} : memref<2x128x128xf32, #tpu.memory_space<vmem>>, vector<1x1x16xf32>,
      %swap3A_524 = vector.shape_cast %swap3A_523 : vector<1x1x16xf32> to vector<16xf32>
      %swap3A_525 = vector.shape_cast %add3A_518 : vector<16xf32> to vector<1x1x16xf32>
      tpu.vector_store %arg10[%swap3A_520, %swap3A_521, %swap3A_522], %swap3A_525 {strides = array<i32>} : memref<2x128x128xf32, #tpu.memory_space<vmem>>, vector<1x1x16xf32>,
      %get3A_526 = arith.constant 0 : i32
      %get3A_527 = arith.index_cast %get3A_526 : i32 to index
      %get3A_528 = arith.index_cast %scan3A_406 : i32 to index
      %get3A_529 = arith.constant 96 : index
      %get3A_530 = tpu.vector_load %arg8[%get3A_527, %get3A_528, %get3A_529] {strides = array<i32>} : memref<2x128x128xf32, #tpu.memory_space<vmem>>, vector<1x1x16xf32>,
      %get3A_531 = vector.shape_cast %get3A_530 : vector<1x1x16xf32> to vector<16xf32>
      %get3A_532 = arith.constant 0 : i32
      %get3A_533 = arith.index_cast %get3A_532 : i32 to index
      %get3A_534 = arith.index_cast %scan3A_406 : i32 to index
      %get3A_535 = arith.constant 96 : index
      %get3A_536 = tpu.vector_load %arg9[%get3A_533, %get3A_534, %get3A_535] {strides = array<i32>} : memref<2x128x128xf32, #tpu.memory_space<vmem>>, vector<1x1x16xf32>,
      %get3A_537 = vector.shape_cast %get3A_536 : vector<1x1x16xf32> to vector<16xf32>
      %add3A_538 = arith.addf %get3A_531, %get3A_537 : vector<16xf32>
      %swap3A_539 = arith.constant 0 : i32
      %swap3A_540 = arith.index_cast %swap3A_539 : i32 to index
      %swap3A_541 = arith.index_cast %scan3A_406 : i32 to index
      %swap3A_542 = arith.constant 96 : index
      %swap3A_543 = tpu.vector_load %arg10[%swap3A_540, %swap3A_541, %swap3A_542] {strides = array<i32>} : memref<2x128x128xf32, #tpu.memory_space<vmem>>, vector<1x1x16xf32>,
      %swap3A_544 = vector.shape_cast %swap3A_543 : vector<1x1x16xf32> to vector<16xf32>
      %swap3A_545 = vector.shape_cast %add3A_538 : vector<16xf32> to vector<1x1x16xf32>
      tpu.vector_store %arg10[%swap3A_540, %swap3A_541, %swap3A_542], %swap3A_545 {strides = array<i32>} : memref<2x128x128xf32, #tpu.memory_space<vmem>>, vector<1x1x16xf32>,
      %get3A_546 = arith.constant 0 : i32
      %get3A_547 = arith.index_cast %get3A_546 : i32 to index
      %get3A_548 = arith.index_cast %scan3A_406 : i32 to index
      %get3A_549 = arith.constant 112 : index
      %get3A_550 = tpu.vector_load %arg8[%get3A_547, %get3A_548, %get3A_549] {strides = array<i32>} : memref<2x128x128xf32, #tpu.memory_space<vmem>>, vector<1x1x16xf32>,
      %get3A_551 = vector.shape_cast %get3A_550 : vector<1x1x16xf32> to vector<16xf32>
      %get3A_552 = arith.constant 0 : i32
      %get3A_553 = arith.index_cast %get3A_552 : i32 to index
      %get3A_554 = arith.index_cast %scan3A_406 : i32 to index
      %get3A_555 = arith.constant 112 : index
      %get3A_556 = tpu.vector_load %arg9[%get3A_553, %get3A_554, %get3A_555] {strides = array<i32>} : memref<2x128x128xf32, #tpu.memory_space<vmem>>, vector<1x1x16xf32>,
      %get3A_557 = vector.shape_cast %get3A_556 : vector<1x1x16xf32> to vector<16xf32>
      %add3A_558 = arith.addf %get3A_551, %get3A_557 : vector<16xf32>
      %swap3A_559 = arith.constant 0 : i32
      %swap3A_560 = arith.index_cast %swap3A_559 : i32 to index
      %swap3A_561 = arith.index_cast %scan3A_406 : i32 to index
      %swap3A_562 = arith.constant 112 : index
      %swap3A_563 = tpu.vector_load %arg10[%swap3A_560, %swap3A_561, %swap3A_562] {strides = array<i32>} : memref<2x128x128xf32, #tpu.memory_space<vmem>>, vector<1x1x16xf32>,
      %swap3A_564 = vector.shape_cast %swap3A_563 : vector<1x1x16xf32> to vector<16xf32>
      %swap3A_565 = vector.shape_cast %add3A_558 : vector<16xf32> to vector<1x1x16xf32>
      tpu.vector_store %arg10[%swap3A_560, %swap3A_561, %swap3A_562], %swap3A_565 {strides = array<i32>} : memref<2x128x128xf32, #tpu.memory_space<vmem>>, vector<1x1x16xf32>,
      %scan3A_566 = arith.constant 0 : i32
      scf.yield %scan3A_566 : i32
    }
    %scan3A_100 = arith.constant 128 : i32
    %dma_start3A_101 = arith.constant 0 : i32
    %dma_start3A_102 = arith.constant 0 : i32
    %dma_start3A_103 = arith.constant 0 : i32
    %dma_start3A_104 = arith.constant 0 : i32
    %dma_start3A_105 = tpu.memref_slice %arg10[%dma_start3A_101, %dma_start3A_103, %dma_start3A_104] : memref<2x128x128xf32, #tpu.memory_space<vmem>> -> memref<1x128x128xf32, #tpu.memory_space<vmem>>
    %dma_start3A_106 = tpu.memref_squeeze %dma_start3A_105 : memref<1x128x128xf32, #tpu.memory_space<vmem>> -> memref<128x128xf32, #tpu.memory_space<vmem>>
    %dma_start3A_107 = arith.constant 0 : i32
    %dma_start3A_108 = tpu.memref_slice %arg6[%add3A_94, %dma_start3A_107] : memref<16384x128xf32, #tpu.memory_space<hbm>> -> memref<128x128xf32, #tpu.memory_space<hbm>>
    %dma_start3A_109 = tpu.memref_slice %arg15[%dma_start3A_102] : memref<2x!tpu.dma_semaphore, #tpu.memory_space<semaphore_mem>> -> memref<1x!tpu.dma_semaphore, #tpu.memory_space<semaphore_mem>>
    %dma_start3A_110 = tpu.memref_squeeze %dma_start3A_109 : memref<1x!tpu.dma_semaphore, #tpu.memory_space<semaphore_mem>> -> memref<!tpu.dma_semaphore, #tpu.memory_space<semaphore_mem>>
    %dma_start3A_111 = arith.constant 0 : i32
    %dma_start3A_112 = tpu.memref_slice %arg6[%add3A_94, %dma_start3A_111] : memref<16384x128xf32, #tpu.memory_space<hbm>> -> memref<128x128xf32, #tpu.memory_space<hbm>>
    %dma_start3A_113 = arith.constant 0 : i32
    %dma_start3A_114 = arith.constant 0 : i32
    %dma_start3A_115 = tpu.memref_slice %arg10[%dma_start3A_101, %dma_start3A_113, %dma_start3A_114] : memref<2x128x128xf32, #tpu.memory_space<vmem>> -> memref<1x128x128xf32, #tpu.memory_space<vmem>>
    %dma_start3A_116 = tpu.memref_squeeze %dma_start3A_115 : memref<1x128x128xf32, #tpu.memory_space<vmem>> -> memref<128x128xf32, #tpu.memory_space<vmem>>
    tpu.enqueue_dma source(%dma_start3A_116 : memref<128x128xf32, #tpu.memory_space<vmem>>) target(%dma_start3A_112 : memref<128x128xf32, #tpu.memory_space<hbm>>) target_semaphore(%dma_start3A_110 : memref<!tpu.dma_semaphore, #tpu.memory_space<semaphore_mem>>)
    %dma_wait3A_117 = arith.constant 0 : i32
    %dma_wait3A_118 = arith.constant 0 : i32
    %dma_wait3A_119 = arith.constant 0 : i32
    %dma_wait3A_120 = arith.constant 0 : i32
    %dma_wait3A_121 = tpu.memref_slice %arg10[%dma_wait3A_117, %dma_wait3A_119, %dma_wait3A_120] : memref<2x128x128xf32, #tpu.memory_space<vmem>> -> memref<1x128x128xf32, #tpu.memory_space<vmem>>
    %dma_wait3A_122 = tpu.memref_squeeze %dma_wait3A_121 : memref<1x128x128xf32, #tpu.memory_space<vmem>> -> memref<128x128xf32, #tpu.memory_space<vmem>>
    %dma_wait3A_123 = arith.constant 0 : i32
    %dma_wait3A_124 = tpu.memref_slice %arg6[%add3A_94, %dma_wait3A_123] : memref<16384x128xf32, #tpu.memory_space<hbm>> -> memref<128x128xf32, #tpu.memory_space<hbm>>
    %dma_wait3A_125 = tpu.memref_slice %arg15[%dma_wait3A_118] : memref<2x!tpu.dma_semaphore, #tpu.memory_space<semaphore_mem>> -> memref<1x!tpu.dma_semaphore, #tpu.memory_space<semaphore_mem>>
    %dma_wait3A_126 = tpu.memref_squeeze %dma_wait3A_125 : memref<1x!tpu.dma_semaphore, #tpu.memory_space<semaphore_mem>> -> memref<!tpu.dma_semaphore, #tpu.memory_space<semaphore_mem>>
    %dma_wait3A_127 = arith.constant 0 : i32
    %dma_wait3A_128 = tpu.memref_slice %arg6[%add3A_94, %dma_wait3A_127] : memref<16384x128xf32, #tpu.memory_space<hbm>> -> memref<128x128xf32, #tpu.memory_space<hbm>>
    %dma_wait3A_129 = arith.constant 0 : i32
    %dma_wait3A_130 = arith.constant 0 : i32
    %dma_wait3A_131 = tpu.memref_slice %arg10[%dma_wait3A_117, %dma_wait3A_129, %dma_wait3A_130] : memref<2x128x128xf32, #tpu.memory_space<vmem>> -> memref<1x128x128xf32, #tpu.memory_space<vmem>>
    %dma_wait3A_132 = tpu.memref_squeeze %dma_wait3A_131 : memref<1x128x128xf32, #tpu.memory_space<vmem>> -> memref<128x128xf32, #tpu.memory_space<vmem>>
    tpu.wait_dma2 semaphore(%dma_wait3A_126 : memref<!tpu.dma_semaphore, #tpu.memory_space<semaphore_mem>>) src(%dma_wait3A_132 : memref<128x128xf32, #tpu.memory_space<vmem>>) dst(%dma_wait3A_128 : memref<128x128xf32, #tpu.memory_space<hbm>>)
    %dma_start3A_133 = arith.constant 2 : i32
    %dma_start3A_134 = arith.constant 0 : i32
    %dma_start3A_135 = arith.constant 0 : i32
    %dma_start3A_136 = arith.constant 0 : i32
    %dma_start3A_137 = arith.constant 0 : i32
    %dma_start3A_138 = tpu.memref_slice %arg8[%dma_start3A_134, %dma_start3A_136, %dma_start3A_137] : memref<2x128x128xf32, #tpu.memory_space<vmem>> -> memref<1x128x128xf32, #tpu.memory_space<vmem>>
    %dma_start3A_139 = tpu.memref_squeeze %dma_start3A_138 : memref<1x128x128xf32, #tpu.memory_space<vmem>> -> memref<128x128xf32, #tpu.memory_space<vmem>>
    %dma_start3A_140 = arith.constant 0 : i32
    %dma_start3A_141 = tpu.memref_slice %arg7[%dma_start3A_133, %dma_start3A_140] : memref<4x128xi32, #tpu.memory_space<vmem>> -> memref<1x128xi32, #tpu.memory_space<vmem>>
    %dma_start3A_142 = tpu.memref_squeeze %dma_start3A_141 : memref<1x128xi32, #tpu.memory_space<vmem>> -> memref<128xi32, #tpu.memory_space<vmem>>
    %dma_start3A_143 = arith.constant 0 : i32
    %dma_start3A_144 = arith.constant 0 : i32
    %dma_start3A_145 = tpu.memref_slice %arg3[%dma_start3A_143, %dma_start3A_144] : memref<100001x128xf32, #tpu.memory_space<hbm>> -> memref<100001x128xf32, #tpu.memory_space<hbm>>
    %dma_start3A_146 = tpu.memref_slice %arg11[%dma_start3A_135] : memref<2x!tpu.dma_semaphore, #tpu.memory_space<semaphore_mem>> -> memref<1x!tpu.dma_semaphore, #tpu.memory_space<semaphore_mem>>
    %dma_start3A_147 = tpu.memref_squeeze %dma_start3A_146 : memref<1x!tpu.dma_semaphore, #tpu.memory_space<semaphore_mem>> -> memref<!tpu.dma_semaphore, #tpu.memory_space<semaphore_mem>>
    tpu.enqueue_indirect_dma source(%dma_start3A_145 : memref<100001x128xf32, #tpu.memory_space<hbm>>) target(%dma_start3A_139 : memref<128x128xf32, #tpu.memory_space<vmem>>) offsets(%dma_start3A_142 : memref<128xi32, #tpu.memory_space<vmem>>) semaphore(%dma_start3A_147 : memref<!tpu.dma_semaphore, #tpu.memory_space<semaphore_mem>>)
    %dma_start3A_148 = arith.constant 2 : i32
    %dma_start3A_149 = arith.constant 0 : i32
    %dma_start3A_150 = arith.constant 0 : i32
    %dma_start3A_151 = arith.constant 0 : i32
    %dma_start3A_152 = arith.constant 0 : i32
    %dma_start3A_153 = tpu.memref_slice %arg9[%dma_start3A_149, %dma_start3A_151, %dma_start3A_152] : memref<2x128x128xf32, #tpu.memory_space<vmem>> -> memref<1x128x128xf32, #tpu.memory_space<vmem>>
    %dma_start3A_154 = tpu.memref_squeeze %dma_start3A_153 : memref<1x128x128xf32, #tpu.memory_space<vmem>> -> memref<128x128xf32, #tpu.memory_space<vmem>>
    %dma_start3A_155 = arith.constant 0 : i32
    %dma_start3A_156 = tpu.memref_slice %arg7[%dma_start3A_148, %dma_start3A_155] : memref<4x128xi32, #tpu.memory_space<vmem>> -> memref<1x128xi32, #tpu.memory_space<vmem>>
    %dma_start3A_157 = tpu.memref_squeeze %dma_start3A_156 : memref<1x128xi32, #tpu.memory_space<vmem>> -> memref<128xi32, #tpu.memory_space<vmem>>
    %dma_start3A_158 = arith.constant 0 : i32
    %dma_start3A_159 = arith.constant 0 : i32
    %dma_start3A_160 = tpu.memref_slice %arg4[%dma_start3A_158, %dma_start3A_159] : memref<100001x128xf32, #tpu.memory_space<hbm>> -> memref<100001x128xf32, #tpu.memory_space<hbm>>
    %dma_start3A_161 = tpu.memref_slice %arg12[%dma_start3A_150] : memref<2x!tpu.dma_semaphore, #tpu.memory_space<semaphore_mem>> -> memref<1x!tpu.dma_semaphore, #tpu.memory_space<semaphore_mem>>
    %dma_start3A_162 = tpu.memref_squeeze %dma_start3A_161 : memref<1x!tpu.dma_semaphore, #tpu.memory_space<semaphore_mem>> -> memref<!tpu.dma_semaphore, #tpu.memory_space<semaphore_mem>>
    tpu.enqueue_indirect_dma source(%dma_start3A_160 : memref<100001x128xf32, #tpu.memory_space<hbm>>) target(%dma_start3A_154 : memref<128x128xf32, #tpu.memory_space<vmem>>) offsets(%dma_start3A_157 : memref<128xi32, #tpu.memory_space<vmem>>) semaphore(%dma_start3A_162 : memref<!tpu.dma_semaphore, #tpu.memory_space<semaphore_mem>>)
    %dma_wait3A_163 = arith.constant 1 : i32
    %dma_wait3A_164 = arith.constant 1 : i32
    %dma_wait3A_165 = arith.constant 1 : i32
    %dma_wait3A_166 = arith.constant 0 : i32
    %dma_wait3A_167 = arith.constant 0 : i32
    %dma_wait3A_168 = tpu.memref_slice %arg8[%dma_wait3A_164, %dma_wait3A_166, %dma_wait3A_167] : memref<2x128x128xf32, #tpu.memory_space<vmem>> -> memref<1x128x128xf32, #tpu.memory_space<vmem>>
    %dma_wait3A_169 = tpu.memref_squeeze %dma_wait3A_168 : memref<1x128x128xf32, #tpu.memory_space<vmem>> -> memref<128x128xf32, #tpu.memory_space<vmem>>
    %dma_wait3A_170 = arith.constant 0 : i32
    %dma_wait3A_171 = tpu.memref_slice %arg7[%dma_wait3A_163, %dma_wait3A_170] : memref<4x128xi32, #tpu.memory_space<vmem>> -> memref<1x128xi32, #tpu.memory_space<vmem>>
    %dma_wait3A_172 = tpu.memref_squeeze %dma_wait3A_171 : memref<1x128xi32, #tpu.memory_space<vmem>> -> memref<128xi32, #tpu.memory_space<vmem>>
    %dma_wait3A_173 = arith.constant 0 : i32
    %dma_wait3A_174 = arith.constant 0 : i32
    %dma_wait3A_175 = tpu.memref_slice %arg3[%dma_wait3A_173, %dma_wait3A_174] : memref<100001x128xf32, #tpu.memory_space<hbm>> -> memref<100001x128xf32, #tpu.memory_space<hbm>>
    %dma_wait3A_176 = tpu.memref_slice %arg11[%dma_wait3A_165] : memref<2x!tpu.dma_semaphore, #tpu.memory_space<semaphore_mem>> -> memref<1x!tpu.dma_semaphore, #tpu.memory_space<semaphore_mem>>
    %dma_wait3A_177 = tpu.memref_squeeze %dma_wait3A_176 : memref<1x!tpu.dma_semaphore, #tpu.memory_space<semaphore_mem>> -> memref<!tpu.dma_semaphore, #tpu.memory_space<semaphore_mem>>
    tpu.wait_indirect_dma semaphore(%dma_wait3A_177 : memref<!tpu.dma_semaphore, #tpu.memory_space<semaphore_mem>>) src(%dma_wait3A_175 : memref<100001x128xf32, #tpu.memory_space<hbm>>) dst(%dma_wait3A_169 : memref<128x128xf32, #tpu.memory_space<vmem>>)
    %dma_wait3A_178 = arith.constant 1 : i32
    %dma_wait3A_179 = arith.constant 1 : i32
    %dma_wait3A_180 = arith.constant 1 : i32
    %dma_wait3A_181 = arith.constant 0 : i32
    %dma_wait3A_182 = arith.constant 0 : i32
    %dma_wait3A_183 = tpu.memref_slice %arg9[%dma_wait3A_179, %dma_wait3A_181, %dma_wait3A_182] : memref<2x128x128xf32, #tpu.memory_space<vmem>> -> memref<1x128x128xf32, #tpu.memory_space<vmem>>
    %dma_wait3A_184 = tpu.memref_squeeze %dma_wait3A_183 : memref<1x128x128xf32, #tpu.memory_space<vmem>> -> memref<128x128xf32, #tpu.memory_space<vmem>>
    %dma_wait3A_185 = arith.constant 0 : i32
    %dma_wait3A_186 = tpu.memref_slice %arg7[%dma_wait3A_178, %dma_wait3A_185] : memref<4x128xi32, #tpu.memory_space<vmem>> -> memref<1x128xi32, #tpu.memory_space<vmem>>
    %dma_wait3A_187 = tpu.memref_squeeze %dma_wait3A_186 : memref<1x128xi32, #tpu.memory_space<vmem>> -> memref<128xi32, #tpu.memory_space<vmem>>
    %dma_wait3A_188 = arith.constant 0 : i32
    %dma_wait3A_189 = arith.constant 0 : i32
    %dma_wait3A_190 = tpu.memref_slice %arg4[%dma_wait3A_188, %dma_wait3A_189] : memref<100001x128xf32, #tpu.memory_space<hbm>> -> memref<100001x128xf32, #tpu.memory_space<hbm>>
    %dma_wait3A_191 = tpu.memref_slice %arg12[%dma_wait3A_180] : memref<2x!tpu.dma_semaphore, #tpu.memory_space<semaphore_mem>> -> memref<1x!tpu.dma_semaphore, #tpu.memory_space<semaphore_mem>>
    %dma_wait3A_192 = tpu.memref_squeeze %dma_wait3A_191 : memref<1x!tpu.dma_semaphore, #tpu.memory_space<semaphore_mem>> -> memref<!tpu.dma_semaphore, #tpu.memory_space<semaphore_mem>>
    tpu.wait_indirect_dma semaphore(%dma_wait3A_192 : memref<!tpu.dma_semaphore, #tpu.memory_space<semaphore_mem>>) src(%dma_wait3A_190 : memref<100001x128xf32, #tpu.memory_space<hbm>>) dst(%dma_wait3A_184 : memref<128x128xf32, #tpu.memory_space<vmem>>)
    %add3A_193 = arith.constant 128 : i32
    %add3A_194 = arith.addi %mul3A_2, %add3A_193 : i32
    %scan3A_195 = arith.constant 0 : i32
    %scan3A_196 = arith.constant 0 : i32
    %scan3A_197 = arith.constant 128 : i32
    %scan3A_198 = arith.addi %scan3A_196, %scan3A_197 : i32
    %scan3A_199 = arith.constant 1 : i32
    %scan3A_200 = scf.for %scan3A_406 = %scan3A_196 to %scan3A_198 step %scan3A_199 iter_args(%scan3A_407 = %scan3A_195) -> (i32)  : i32 {
      %get3A = arith.constant 1 : i32
      %get3A_408 = arith.index_cast %get3A : i32 to index
      %get3A_409 = arith.index_cast %scan3A_406 : i32 to index
      %get3A_410 = arith.constant 0 : index
      %get3A_411 = tpu.vector_load %arg8[%get3A_408, %get3A_409, %get3A_410] {strides = array<i32>} : memref<2x128x128xf32, #tpu.memory_space<vmem>>, vector<1x1x16xf32>,
      %get3A_412 = vector.shape_cast %get3A_411 : vector<1x1x16xf32> to vector<16xf32>
      %get3A_413 = arith.constant 1 : i32
      %get3A_414 = arith.index_cast %get3A_413 : i32 to index
      %get3A_415 = arith.index_cast %scan3A_406 : i32 to index
      %get3A_416 = arith.constant 0 : index
      %get3A_417 = tpu.vector_load %arg9[%get3A_414, %get3A_415, %get3A_416] {strides = array<i32>} : memref<2x128x128xf32, #tpu.memory_space<vmem>>, vector<1x1x16xf32>,
      %get3A_418 = vector.shape_cast %get3A_417 : vector<1x1x16xf32> to vector<16xf32>
      %add3A_419 = arith.addf %get3A_412, %get3A_418 : vector<16xf32>
      %swap3A = arith.constant 1 : i32
      %swap3A_420 = arith.index_cast %swap3A : i32 to index
      %swap3A_421 = arith.index_cast %scan3A_406 : i32 to index
      %swap3A_422 = arith.constant 0 : index
      %swap3A_423 = tpu.vector_load %arg10[%swap3A_420, %swap3A_421, %swap3A_422] {strides = array<i32>} : memref<2x128x128xf32, #tpu.memory_space<vmem>>, vector<1x1x16xf32>,
      %swap3A_424 = vector.shape_cast %swap3A_423 : vector<1x1x16xf32> to vector<16xf32>
      %swap3A_425 = vector.shape_cast %add3A_419 : vector<16xf32> to vector<1x1x16xf32>
      tpu.vector_store %arg10[%swap3A_420, %swap3A_421, %swap3A_422], %swap3A_425 {strides = array<i32>} : memref<2x128x128xf32, #tpu.memory_space<vmem>>, vector<1x1x16xf32>,
      %get3A_426 = arith.constant 1 : i32
      %get3A_427 = arith.index_cast %get3A_426 : i32 to index
      %get3A_428 = arith.index_cast %scan3A_406 : i32 to index
      %get3A_429 = arith.constant 16 : index
      %get3A_430 = tpu.vector_load %arg8[%get3A_427, %get3A_428, %get3A_429] {strides = array<i32>} : memref<2x128x128xf32, #tpu.memory_space<vmem>>, vector<1x1x16xf32>,
      %get3A_431 = vector.shape_cast %get3A_430 : vector<1x1x16xf32> to vector<16xf32>
      %get3A_432 = arith.constant 1 : i32
      %get3A_433 = arith.index_cast %get3A_432 : i32 to index
      %get3A_434 = arith.index_cast %scan3A_406 : i32 to index
      %get3A_435 = arith.constant 16 : index
      %get3A_436 = tpu.vector_load %arg9[%get3A_433, %get3A_434, %get3A_435] {strides = array<i32>} : memref<2x128x128xf32, #tpu.memory_space<vmem>>, vector<1x1x16xf32>,
      %get3A_437 = vector.shape_cast %get3A_436 : vector<1x1x16xf32> to vector<16xf32>
      %add3A_438 = arith.addf %get3A_431, %get3A_437 : vector<16xf32>
      %swap3A_439 = arith.constant 1 : i32
      %swap3A_440 = arith.index_cast %swap3A_439 : i32 to index
      %swap3A_441 = arith.index_cast %scan3A_406 : i32 to index
      %swap3A_442 = arith.constant 16 : index
      %swap3A_443 = tpu.vector_load %arg10[%swap3A_440, %swap3A_441, %swap3A_442] {strides = array<i32>} : memref<2x128x128xf32, #tpu.memory_space<vmem>>, vector<1x1x16xf32>,
      %swap3A_444 = vector.shape_cast %swap3A_443 : vector<1x1x16xf32> to vector<16xf32>
      %swap3A_445 = vector.shape_cast %add3A_438 : vector<16xf32> to vector<1x1x16xf32>
      tpu.vector_store %arg10[%swap3A_440, %swap3A_441, %swap3A_442], %swap3A_445 {strides = array<i32>} : memref<2x128x128xf32, #tpu.memory_space<vmem>>, vector<1x1x16xf32>,
      %get3A_446 = arith.constant 1 : i32
      %get3A_447 = arith.index_cast %get3A_446 : i32 to index
      %get3A_448 = arith.index_cast %scan3A_406 : i32 to index
      %get3A_449 = arith.constant 32 : index
      %get3A_450 = tpu.vector_load %arg8[%get3A_447, %get3A_448, %get3A_449] {strides = array<i32>} : memref<2x128x128xf32, #tpu.memory_space<vmem>>, vector<1x1x16xf32>,
      %get3A_451 = vector.shape_cast %get3A_450 : vector<1x1x16xf32> to vector<16xf32>
      %get3A_452 = arith.constant 1 : i32
      %get3A_453 = arith.index_cast %get3A_452 : i32 to index
      %get3A_454 = arith.index_cast %scan3A_406 : i32 to index
      %get3A_455 = arith.constant 32 : index
      %get3A_456 = tpu.vector_load %arg9[%get3A_453, %get3A_454, %get3A_455] {strides = array<i32>} : memref<2x128x128xf32, #tpu.memory_space<vmem>>, vector<1x1x16xf32>,
      %get3A_457 = vector.shape_cast %get3A_456 : vector<1x1x16xf32> to vector<16xf32>
      %add3A_458 = arith.addf %get3A_451, %get3A_457 : vector<16xf32>
      %swap3A_459 = arith.constant 1 : i32
      %swap3A_460 = arith.index_cast %swap3A_459 : i32 to index
      %swap3A_461 = arith.index_cast %scan3A_406 : i32 to index
      %swap3A_462 = arith.constant 32 : index
      %swap3A_463 = tpu.vector_load %arg10[%swap3A_460, %swap3A_461, %swap3A_462] {strides = array<i32>} : memref<2x128x128xf32, #tpu.memory_space<vmem>>, vector<1x1x16xf32>,
      %swap3A_464 = vector.shape_cast %swap3A_463 : vector<1x1x16xf32> to vector<16xf32>
      %swap3A_465 = vector.shape_cast %add3A_458 : vector<16xf32> to vector<1x1x16xf32>
      tpu.vector_store %arg10[%swap3A_460, %swap3A_461, %swap3A_462], %swap3A_465 {strides = array<i32>} : memref<2x128x128xf32, #tpu.memory_space<vmem>>, vector<1x1x16xf32>,
      %get3A_466 = arith.constant 1 : i32
      %get3A_467 = arith.index_cast %get3A_466 : i32 to index
      %get3A_468 = arith.index_cast %scan3A_406 : i32 to index
      %get3A_469 = arith.constant 48 : index
      %get3A_470 = tpu.vector_load %arg8[%get3A_467, %get3A_468, %get3A_469] {strides = array<i32>} : memref<2x128x128xf32, #tpu.memory_space<vmem>>, vector<1x1x16xf32>,
      %get3A_471 = vector.shape_cast %get3A_470 : vector<1x1x16xf32> to vector<16xf32>
      %get3A_472 = arith.constant 1 : i32
      %get3A_473 = arith.index_cast %get3A_472 : i32 to index
      %get3A_474 = arith.index_cast %scan3A_406 : i32 to index
      %get3A_475 = arith.constant 48 : index
      %get3A_476 = tpu.vector_load %arg9[%get3A_473, %get3A_474, %get3A_475] {strides = array<i32>} : memref<2x128x128xf32, #tpu.memory_space<vmem>>, vector<1x1x16xf32>,
      %get3A_477 = vector.shape_cast %get3A_476 : vector<1x1x16xf32> to vector<16xf32>
      %add3A_478 = arith.addf %get3A_471, %get3A_477 : vector<16xf32>
      %swap3A_479 = arith.constant 1 : i32
      %swap3A_480 = arith.index_cast %swap3A_479 : i32 to index
      %swap3A_481 = arith.index_cast %scan3A_406 : i32 to index
      %swap3A_482 = arith.constant 48 : index
      %swap3A_483 = tpu.vector_load %arg10[%swap3A_480, %swap3A_481, %swap3A_482] {strides = array<i32>} : memref<2x128x128xf32, #tpu.memory_space<vmem>>, vector<1x1x16xf32>,
      %swap3A_484 = vector.shape_cast %swap3A_483 : vector<1x1x16xf32> to vector<16xf32>
      %swap3A_485 = vector.shape_cast %add3A_478 : vector<16xf32> to vector<1x1x16xf32>
      tpu.vector_store %arg10[%swap3A_480, %swap3A_481, %swap3A_482], %swap3A_485 {strides = array<i32>} : memref<2x128x128xf32, #tpu.memory_space<vmem>>, vector<1x1x16xf32>,
      %get3A_486 = arith.constant 1 : i32
      %get3A_487 = arith.index_cast %get3A_486 : i32 to index
      %get3A_488 = arith.index_cast %scan3A_406 : i32 to index
      %get3A_489 = arith.constant 64 : index
      %get3A_490 = tpu.vector_load %arg8[%get3A_487, %get3A_488, %get3A_489] {strides = array<i32>} : memref<2x128x128xf32, #tpu.memory_space<vmem>>, vector<1x1x16xf32>,
      %get3A_491 = vector.shape_cast %get3A_490 : vector<1x1x16xf32> to vector<16xf32>
      %get3A_492 = arith.constant 1 : i32
      %get3A_493 = arith.index_cast %get3A_492 : i32 to index
      %get3A_494 = arith.index_cast %scan3A_406 : i32 to index
      %get3A_495 = arith.constant 64 : index
      %get3A_496 = tpu.vector_load %arg9[%get3A_493, %get3A_494, %get3A_495] {strides = array<i32>} : memref<2x128x128xf32, #tpu.memory_space<vmem>>, vector<1x1x16xf32>,
      %get3A_497 = vector.shape_cast %get3A_496 : vector<1x1x16xf32> to vector<16xf32>
      %add3A_498 = arith.addf %get3A_491, %get3A_497 : vector<16xf32>
      %swap3A_499 = arith.constant 1 : i32
      %swap3A_500 = arith.index_cast %swap3A_499 : i32 to index
      %swap3A_501 = arith.index_cast %scan3A_406 : i32 to index
      %swap3A_502 = arith.constant 64 : index
      %swap3A_503 = tpu.vector_load %arg10[%swap3A_500, %swap3A_501, %swap3A_502] {strides = array<i32>} : memref<2x128x128xf32, #tpu.memory_space<vmem>>, vector<1x1x16xf32>,
      %swap3A_504 = vector.shape_cast %swap3A_503 : vector<1x1x16xf32> to vector<16xf32>
      %swap3A_505 = vector.shape_cast %add3A_498 : vector<16xf32> to vector<1x1x16xf32>
      tpu.vector_store %arg10[%swap3A_500, %swap3A_501, %swap3A_502], %swap3A_505 {strides = array<i32>} : memref<2x128x128xf32, #tpu.memory_space<vmem>>, vector<1x1x16xf32>,
      %get3A_506 = arith.constant 1 : i32
      %get3A_507 = arith.index_cast %get3A_506 : i32 to index
      %get3A_508 = arith.index_cast %scan3A_406 : i32 to index
      %get3A_509 = arith.constant 80 : index
      %get3A_510 = tpu.vector_load %arg8[%get3A_507, %get3A_508, %get3A_509] {strides = array<i32>} : memref<2x128x128xf32, #tpu.memory_space<vmem>>, vector<1x1x16xf32>,
      %get3A_511 = vector.shape_cast %get3A_510 : vector<1x1x16xf32> to vector<16xf32>
      %get3A_512 = arith.constant 1 : i32
      %get3A_513 = arith.index_cast %get3A_512 : i32 to index
      %get3A_514 = arith.index_cast %scan3A_406 : i32 to index
      %get3A_515 = arith.constant 80 : index
      %get3A_516 = tpu.vector_load %arg9[%get3A_513, %get3A_514, %get3A_515] {strides = array<i32>} : memref<2x128x128xf32, #tpu.memory_space<vmem>>, vector<1x1x16xf32>,
      %get3A_517 = vector.shape_cast %get3A_516 : vector<1x1x16xf32> to vector<16xf32>
      %add3A_518 = arith.addf %get3A_511, %get3A_517 : vector<16xf32>
      %swap3A_519 = arith.constant 1 : i32
      %swap3A_520 = arith.index_cast %swap3A_519 : i32 to index
      %swap3A_521 = arith.index_cast %scan3A_406 : i32 to index
      %swap3A_522 = arith.constant 80 : index
      %swap3A_523 = tpu.vector_load %arg10[%swap3A_520, %swap3A_521, %swap3A_522] {strides = array<i32>} : memref<2x128x128xf32, #tpu.memory_space<vmem>>, vector<1x1x16xf32>,
      %swap3A_524 = vector.shape_cast %swap3A_523 : vector<1x1x16xf32> to vector<16xf32>
      %swap3A_525 = vector.shape_cast %add3A_518 : vector<16xf32> to vector<1x1x16xf32>
      tpu.vector_store %arg10[%swap3A_520, %swap3A_521, %swap3A_522], %swap3A_525 {strides = array<i32>} : memref<2x128x128xf32, #tpu.memory_space<vmem>>, vector<1x1x16xf32>,
      %get3A_526 = arith.constant 1 : i32
      %get3A_527 = arith.index_cast %get3A_526 : i32 to index
      %get3A_528 = arith.index_cast %scan3A_406 : i32 to index
      %get3A_529 = arith.constant 96 : index
      %get3A_530 = tpu.vector_load %arg8[%get3A_527, %get3A_528, %get3A_529] {strides = array<i32>} : memref<2x128x128xf32, #tpu.memory_space<vmem>>, vector<1x1x16xf32>,
      %get3A_531 = vector.shape_cast %get3A_530 : vector<1x1x16xf32> to vector<16xf32>
      %get3A_532 = arith.constant 1 : i32
      %get3A_533 = arith.index_cast %get3A_532 : i32 to index
      %get3A_534 = arith.index_cast %scan3A_406 : i32 to index
      %get3A_535 = arith.constant 96 : index
      %get3A_536 = tpu.vector_load %arg9[%get3A_533, %get3A_534, %get3A_535] {strides = array<i32>} : memref<2x128x128xf32, #tpu.memory_space<vmem>>, vector<1x1x16xf32>,
      %get3A_537 = vector.shape_cast %get3A_536 : vector<1x1x16xf32> to vector<16xf32>
      %add3A_538 = arith.addf %get3A_531, %get3A_537 : vector<16xf32>
      %swap3A_539 = arith.constant 1 : i32
      %swap3A_540 = arith.index_cast %swap3A_539 : i32 to index
      %swap3A_541 = arith.index_cast %scan3A_406 : i32 to index
      %swap3A_542 = arith.constant 96 : index
      %swap3A_543 = tpu.vector_load %arg10[%swap3A_540, %swap3A_541, %swap3A_542] {strides = array<i32>} : memref<2x128x128xf32, #tpu.memory_space<vmem>>, vector<1x1x16xf32>,
      %swap3A_544 = vector.shape_cast %swap3A_543 : vector<1x1x16xf32> to vector<16xf32>
      %swap3A_545 = vector.shape_cast %add3A_538 : vector<16xf32> to vector<1x1x16xf32>
      tpu.vector_store %arg10[%swap3A_540, %swap3A_541, %swap3A_542], %swap3A_545 {strides = array<i32>} : memref<2x128x128xf32, #tpu.memory_space<vmem>>, vector<1x1x16xf32>,
      %get3A_546 = arith.constant 1 : i32
      %get3A_547 = arith.index_cast %get3A_546 : i32 to index
      %get3A_548 = arith.index_cast %scan3A_406 : i32 to index
      %get3A_549 = arith.constant 112 : index
      %get3A_550 = tpu.vector_load %arg8[%get3A_547, %get3A_548, %get3A_549] {strides = array<i32>} : memref<2x128x128xf32, #tpu.memory_space<vmem>>, vector<1x1x16xf32>,
      %get3A_551 = vector.shape_cast %get3A_550 : vector<1x1x16xf32> to vector<16xf32>
      %get3A_552 = arith.constant 1 : i32
      %get3A_553 = arith.index_cast %get3A_552 : i32 to index
      %get3A_554 = arith.index_cast %scan3A_406 : i32 to index
      %get3A_555 = arith.constant 112 : index
      %get3A_556 = tpu.vector_load %arg9[%get3A_553, %get3A_554, %get3A_555] {strides = array<i32>} : memref<2x128x128xf32, #tpu.memory_space<vmem>>, vector<1x1x16xf32>,
      %get3A_557 = vector.shape_cast %get3A_556 : vector<1x1x16xf32> to vector<16xf32>
      %add3A_558 = arith.addf %get3A_551, %get3A_557 : vector<16xf32>
      %swap3A_559 = arith.constant 1 : i32
      %swap3A_560 = arith.index_cast %swap3A_559 : i32 to index
      %swap3A_561 = arith.index_cast %scan3A_406 : i32 to index
      %swap3A_562 = arith.constant 112 : index
      %swap3A_563 = tpu.vector_load %arg10[%swap3A_560, %swap3A_561, %swap3A_562] {strides = array<i32>} : memref<2x128x128xf32, #tpu.memory_space<vmem>>, vector<1x1x16xf32>,
      %swap3A_564 = vector.shape_cast %swap3A_563 : vector<1x1x16xf32> to vector<16xf32>
      %swap3A_565 = vector.shape_cast %add3A_558 : vector<16xf32> to vector<1x1x16xf32>
      tpu.vector_store %arg10[%swap3A_560, %swap3A_561, %swap3A_562], %swap3A_565 {strides = array<i32>} : memref<2x128x128xf32, #tpu.memory_space<vmem>>, vector<1x1x16xf32>,
      %scan3A_566 = arith.constant 0 : i32
      scf.yield %scan3A_566 : i32
    }
    %scan3A_201 = arith.constant 128 : i32
    %dma_start3A_202 = arith.constant 1 : i32
    %dma_start3A_203 = arith.constant 1 : i32
    %dma_start3A_204 = arith.constant 0 : i32
    %dma_start3A_205 = arith.constant 0 : i32
    %dma_start3A_206 = tpu.memref_slice %arg10[%dma_start3A_202, %dma_start3A_204, %dma_start3A_205] : memref<2x128x128xf32, #tpu.memory_space<vmem>> -> memref<1x128x128xf32, #tpu.memory_space<vmem>>
    %dma_start3A_207 = tpu.memref_squeeze %dma_start3A_206 : memref<1x128x128xf32, #tpu.memory_space<vmem>> -> memref<128x128xf32, #tpu.memory_space<vmem>>
    %dma_start3A_208 = arith.constant 0 : i32
    %dma_start3A_209 = tpu.memref_slice %arg6[%add3A_194, %dma_start3A_208] : memref<16384x128xf32, #tpu.memory_space<hbm>> -> memref<128x128xf32, #tpu.memory_space<hbm>>
    %dma_start3A_210 = tpu.memref_slice %arg15[%dma_start3A_203] : memref<2x!tpu.dma_semaphore, #tpu.memory_space<semaphore_mem>> -> memref<1x!tpu.dma_semaphore, #tpu.memory_space<semaphore_mem>>
    %dma_start3A_211 = tpu.memref_squeeze %dma_start3A_210 : memref<1x!tpu.dma_semaphore, #tpu.memory_space<semaphore_mem>> -> memref<!tpu.dma_semaphore, #tpu.memory_space<semaphore_mem>>
    %dma_start3A_212 = arith.constant 0 : i32
    %dma_start3A_213 = tpu.memref_slice %arg6[%add3A_194, %dma_start3A_212] : memref<16384x128xf32, #tpu.memory_space<hbm>> -> memref<128x128xf32, #tpu.memory_space<hbm>>
    %dma_start3A_214 = arith.constant 0 : i32
    %dma_start3A_215 = arith.constant 0 : i32
    %dma_start3A_216 = tpu.memref_slice %arg10[%dma_start3A_202, %dma_start3A_214, %dma_start3A_215] : memref<2x128x128xf32, #tpu.memory_space<vmem>> -> memref<1x128x128xf32, #tpu.memory_space<vmem>>
    %dma_start3A_217 = tpu.memref_squeeze %dma_start3A_216 : memref<1x128x128xf32, #tpu.memory_space<vmem>> -> memref<128x128xf32, #tpu.memory_space<vmem>>
    tpu.enqueue_dma source(%dma_start3A_217 : memref<128x128xf32, #tpu.memory_space<vmem>>) target(%dma_start3A_213 : memref<128x128xf32, #tpu.memory_space<hbm>>) target_semaphore(%dma_start3A_211 : memref<!tpu.dma_semaphore, #tpu.memory_space<semaphore_mem>>)
    %dma_wait3A_218 = arith.constant 1 : i32
    %dma_wait3A_219 = arith.constant 1 : i32
    %dma_wait3A_220 = arith.constant 0 : i32
    %dma_wait3A_221 = arith.constant 0 : i32
    %dma_wait3A_222 = tpu.memref_slice %arg10[%dma_wait3A_218, %dma_wait3A_220, %dma_wait3A_221] : memref<2x128x128xf32, #tpu.memory_space<vmem>> -> memref<1x128x128xf32, #tpu.memory_space<vmem>>
    %dma_wait3A_223 = tpu.memref_squeeze %dma_wait3A_222 : memref<1x128x128xf32, #tpu.memory_space<vmem>> -> memref<128x128xf32, #tpu.memory_space<vmem>>
    %dma_wait3A_224 = arith.constant 0 : i32
    %dma_wait3A_225 = tpu.memref_slice %arg6[%add3A_194, %dma_wait3A_224] : memref<16384x128xf32, #tpu.memory_space<hbm>> -> memref<128x128xf32, #tpu.memory_space<hbm>>
    %dma_wait3A_226 = tpu.memref_slice %arg15[%dma_wait3A_219] : memref<2x!tpu.dma_semaphore, #tpu.memory_space<semaphore_mem>> -> memref<1x!tpu.dma_semaphore, #tpu.memory_space<semaphore_mem>>
    %dma_wait3A_227 = tpu.memref_squeeze %dma_wait3A_226 : memref<1x!tpu.dma_semaphore, #tpu.memory_space<semaphore_mem>> -> memref<!tpu.dma_semaphore, #tpu.memory_space<semaphore_mem>>
    %dma_wait3A_228 = arith.constant 0 : i32
    %dma_wait3A_229 = tpu.memref_slice %arg6[%add3A_194, %dma_wait3A_228] : memref<16384x128xf32, #tpu.memory_space<hbm>> -> memref<128x128xf32, #tpu.memory_space<hbm>>
    %dma_wait3A_230 = arith.constant 0 : i32
    %dma_wait3A_231 = arith.constant 0 : i32
    %dma_wait3A_232 = tpu.memref_slice %arg10[%dma_wait3A_218, %dma_wait3A_230, %dma_wait3A_231] : memref<2x128x128xf32, #tpu.memory_space<vmem>> -> memref<1x128x128xf32, #tpu.memory_space<vmem>>
    %dma_wait3A_233 = tpu.memref_squeeze %dma_wait3A_232 : memref<1x128x128xf32, #tpu.memory_space<vmem>> -> memref<128x128xf32, #tpu.memory_space<vmem>>
    tpu.wait_dma2 semaphore(%dma_wait3A_227 : memref<!tpu.dma_semaphore, #tpu.memory_space<semaphore_mem>>) src(%dma_wait3A_233 : memref<128x128xf32, #tpu.memory_space<vmem>>) dst(%dma_wait3A_229 : memref<128x128xf32, #tpu.memory_space<hbm>>)
    %dma_start3A_234 = arith.constant 3 : i32
    %dma_start3A_235 = arith.constant 1 : i32
    %dma_start3A_236 = arith.constant 1 : i32
    %dma_start3A_237 = arith.constant 0 : i32
    %dma_start3A_238 = arith.constant 0 : i32
    %dma_start3A_239 = tpu.memref_slice %arg8[%dma_start3A_235, %dma_start3A_237, %dma_start3A_238] : memref<2x128x128xf32, #tpu.memory_space<vmem>> -> memref<1x128x128xf32, #tpu.memory_space<vmem>>
    %dma_start3A_240 = tpu.memref_squeeze %dma_start3A_239 : memref<1x128x128xf32, #tpu.memory_space<vmem>> -> memref<128x128xf32, #tpu.memory_space<vmem>>
    %dma_start3A_241 = arith.constant 0 : i32
    %dma_start3A_242 = tpu.memref_slice %arg7[%dma_start3A_234, %dma_start3A_241] : memref<4x128xi32, #tpu.memory_space<vmem>> -> memref<1x128xi32, #tpu.memory_space<vmem>>
    %dma_start3A_243 = tpu.memref_squeeze %dma_start3A_242 : memref<1x128xi32, #tpu.memory_space<vmem>> -> memref<128xi32, #tpu.memory_space<vmem>>
    %dma_start3A_244 = arith.constant 0 : i32
    %dma_start3A_245 = arith.constant 0 : i32
    %dma_start3A_246 = tpu.memref_slice %arg3[%dma_start3A_244, %dma_start3A_245] : memref<100001x128xf32, #tpu.memory_space<hbm>> -> memref<100001x128xf32, #tpu.memory_space<hbm>>
    %dma_start3A_247 = tpu.memref_slice %arg11[%dma_start3A_236] : memref<2x!tpu.dma_semaphore, #tpu.memory_space<semaphore_mem>> -> memref<1x!tpu.dma_semaphore, #tpu.memory_space<semaphore_mem>>
    %dma_start3A_248 = tpu.memref_squeeze %dma_start3A_247 : memref<1x!tpu.dma_semaphore, #tpu.memory_space<semaphore_mem>> -> memref<!tpu.dma_semaphore, #tpu.memory_space<semaphore_mem>>
    tpu.enqueue_indirect_dma source(%dma_start3A_246 : memref<100001x128xf32, #tpu.memory_space<hbm>>) target(%dma_start3A_240 : memref<128x128xf32, #tpu.memory_space<vmem>>) offsets(%dma_start3A_243 : memref<128xi32, #tpu.memory_space<vmem>>) semaphore(%dma_start3A_248 : memref<!tpu.dma_semaphore, #tpu.memory_space<semaphore_mem>>)
    %dma_start3A_249 = arith.constant 3 : i32
    %dma_start3A_250 = arith.constant 1 : i32
    %dma_start3A_251 = arith.constant 1 : i32
    %dma_start3A_252 = arith.constant 0 : i32
    %dma_start3A_253 = arith.constant 0 : i32
    %dma_start3A_254 = tpu.memref_slice %arg9[%dma_start3A_250, %dma_start3A_252, %dma_start3A_253] : memref<2x128x128xf32, #tpu.memory_space<vmem>> -> memref<1x128x128xf32, #tpu.memory_space<vmem>>
    %dma_start3A_255 = tpu.memref_squeeze %dma_start3A_254 : memref<1x128x128xf32, #tpu.memory_space<vmem>> -> memref<128x128xf32, #tpu.memory_space<vmem>>
    %dma_start3A_256 = arith.constant 0 : i32
    %dma_start3A_257 = tpu.memref_slice %arg7[%dma_start3A_249, %dma_start3A_256] : memref<4x128xi32, #tpu.memory_space<vmem>> -> memref<1x128xi32, #tpu.memory_space<vmem>>
    %dma_start3A_258 = tpu.memref_squeeze %dma_start3A_257 : memref<1x128xi32, #tpu.memory_space<vmem>> -> memref<128xi32, #tpu.memory_space<vmem>>
    %dma_start3A_259 = arith.constant 0 : i32
    %dma_start3A_260 = arith.constant 0 : i32
    %dma_start3A_261 = tpu.memref_slice %arg4[%dma_start3A_259, %dma_start3A_260] : memref<100001x128xf32, #tpu.memory_space<hbm>> -> memref<100001x128xf32, #tpu.memory_space<hbm>>
    %dma_start3A_262 = tpu.memref_slice %arg12[%dma_start3A_251] : memref<2x!tpu.dma_semaphore, #tpu.memory_space<semaphore_mem>> -> memref<1x!tpu.dma_semaphore, #tpu.memory_space<semaphore_mem>>
    %dma_start3A_263 = tpu.memref_squeeze %dma_start3A_262 : memref<1x!tpu.dma_semaphore, #tpu.memory_space<semaphore_mem>> -> memref<!tpu.dma_semaphore, #tpu.memory_space<semaphore_mem>>
    tpu.enqueue_indirect_dma source(%dma_start3A_261 : memref<100001x128xf32, #tpu.memory_space<hbm>>) target(%dma_start3A_255 : memref<128x128xf32, #tpu.memory_space<vmem>>) offsets(%dma_start3A_258 : memref<128xi32, #tpu.memory_space<vmem>>) semaphore(%dma_start3A_263 : memref<!tpu.dma_semaphore, #tpu.memory_space<semaphore_mem>>)
    %dma_wait3A_264 = arith.constant 2 : i32
    %dma_wait3A_265 = arith.constant 0 : i32
    %dma_wait3A_266 = arith.constant 0 : i32
    %dma_wait3A_267 = arith.constant 0 : i32
    %dma_wait3A_268 = arith.constant 0 : i32
    %dma_wait3A_269 = tpu.memref_slice %arg8[%dma_wait3A_265, %dma_wait3A_267, %dma_wait3A_268] : memref<2x128x128xf32, #tpu.memory_space<vmem>> -> memref<1x128x128xf32, #tpu.memory_space<vmem>>
    %dma_wait3A_270 = tpu.memref_squeeze %dma_wait3A_269 : memref<1x128x128xf32, #tpu.memory_space<vmem>> -> memref<128x128xf32, #tpu.memory_space<vmem>>
    %dma_wait3A_271 = arith.constant 0 : i32
    %dma_wait3A_272 = tpu.memref_slice %arg7[%dma_wait3A_264, %dma_wait3A_271] : memref<4x128xi32, #tpu.memory_space<vmem>> -> memref<1x128xi32, #tpu.memory_space<vmem>>
    %dma_wait3A_273 = tpu.memref_squeeze %dma_wait3A_272 : memref<1x128xi32, #tpu.memory_space<vmem>> -> memref<128xi32, #tpu.memory_space<vmem>>
    %dma_wait3A_274 = arith.constant 0 : i32
    %dma_wait3A_275 = arith.constant 0 : i32
    %dma_wait3A_276 = tpu.memref_slice %arg3[%dma_wait3A_274, %dma_wait3A_275] : memref<100001x128xf32, #tpu.memory_space<hbm>> -> memref<100001x128xf32, #tpu.memory_space<hbm>>
    %dma_wait3A_277 = tpu.memref_slice %arg11[%dma_wait3A_266] : memref<2x!tpu.dma_semaphore, #tpu.memory_space<semaphore_mem>> -> memref<1x!tpu.dma_semaphore, #tpu.memory_space<semaphore_mem>>
    %dma_wait3A_278 = tpu.memref_squeeze %dma_wait3A_277 : memref<1x!tpu.dma_semaphore, #tpu.memory_space<semaphore_mem>> -> memref<!tpu.dma_semaphore, #tpu.memory_space<semaphore_mem>>
    tpu.wait_indirect_dma semaphore(%dma_wait3A_278 : memref<!tpu.dma_semaphore, #tpu.memory_space<semaphore_mem>>) src(%dma_wait3A_276 : memref<100001x128xf32, #tpu.memory_space<hbm>>) dst(%dma_wait3A_270 : memref<128x128xf32, #tpu.memory_space<vmem>>)
    %dma_wait3A_279 = arith.constant 2 : i32
    %dma_wait3A_280 = arith.constant 0 : i32
    %dma_wait3A_281 = arith.constant 0 : i32
    %dma_wait3A_282 = arith.constant 0 : i32
    %dma_wait3A_283 = arith.constant 0 : i32
    %dma_wait3A_284 = tpu.memref_slice %arg9[%dma_wait3A_280, %dma_wait3A_282, %dma_wait3A_283] : memref<2x128x128xf32, #tpu.memory_space<vmem>> -> memref<1x128x128xf32, #tpu.memory_space<vmem>>
    %dma_wait3A_285 = tpu.memref_squeeze %dma_wait3A_284 : memref<1x128x128xf32, #tpu.memory_space<vmem>> -> memref<128x128xf32, #tpu.memory_space<vmem>>
    %dma_wait3A_286 = arith.constant 0 : i32
    %dma_wait3A_287 = tpu.memref_slice %arg7[%dma_wait3A_279, %dma_wait3A_286] : memref<4x128xi32, #tpu.memory_space<vmem>> -> memref<1x128xi32, #tpu.memory_space<vmem>>
    %dma_wait3A_288 = tpu.memref_squeeze %dma_wait3A_287 : memref<1x128xi32, #tpu.memory_space<vmem>> -> memref<128xi32, #tpu.memory_space<vmem>>
    %dma_wait3A_289 = arith.constant 0 : i32
    %dma_wait3A_290 = arith.constant 0 : i32
    %dma_wait3A_291 = tpu.memref_slice %arg4[%dma_wait3A_289, %dma_wait3A_290] : memref<100001x128xf32, #tpu.memory_space<hbm>> -> memref<100001x128xf32, #tpu.memory_space<hbm>>
    %dma_wait3A_292 = tpu.memref_slice %arg12[%dma_wait3A_281] : memref<2x!tpu.dma_semaphore, #tpu.memory_space<semaphore_mem>> -> memref<1x!tpu.dma_semaphore, #tpu.memory_space<semaphore_mem>>
    %dma_wait3A_293 = tpu.memref_squeeze %dma_wait3A_292 : memref<1x!tpu.dma_semaphore, #tpu.memory_space<semaphore_mem>> -> memref<!tpu.dma_semaphore, #tpu.memory_space<semaphore_mem>>
    tpu.wait_indirect_dma semaphore(%dma_wait3A_293 : memref<!tpu.dma_semaphore, #tpu.memory_space<semaphore_mem>>) src(%dma_wait3A_291 : memref<100001x128xf32, #tpu.memory_space<hbm>>) dst(%dma_wait3A_285 : memref<128x128xf32, #tpu.memory_space<vmem>>)
    %add3A_294 = arith.constant 256 : i32
    %add3A_295 = arith.addi %mul3A_2, %add3A_294 : i32
    %scan3A_296 = arith.constant 0 : i32
    %scan3A_297 = arith.constant 0 : i32
    %scan3A_298 = arith.constant 128 : i32
    %scan3A_299 = arith.addi %scan3A_297, %scan3A_298 : i32
    %scan3A_300 = arith.constant 1 : i32
    %scan3A_301 = scf.for %scan3A_406 = %scan3A_297 to %scan3A_299 step %scan3A_300 iter_args(%scan3A_407 = %scan3A_296) -> (i32)  : i32 {
      %get3A = arith.constant 0 : i32
      %get3A_408 = arith.index_cast %get3A : i32 to index
      %get3A_409 = arith.index_cast %scan3A_406 : i32 to index
      %get3A_410 = arith.constant 0 : index
      %get3A_411 = tpu.vector_load %arg8[%get3A_408, %get3A_409, %get3A_410] {strides = array<i32>} : memref<2x128x128xf32, #tpu.memory_space<vmem>>, vector<1x1x16xf32>,
      %get3A_412 = vector.shape_cast %get3A_411 : vector<1x1x16xf32> to vector<16xf32>
      %get3A_413 = arith.constant 0 : i32
      %get3A_414 = arith.index_cast %get3A_413 : i32 to index
      %get3A_415 = arith.index_cast %scan3A_406 : i32 to index
      %get3A_416 = arith.constant 0 : index
      %get3A_417 = tpu.vector_load %arg9[%get3A_414, %get3A_415, %get3A_416] {strides = array<i32>} : memref<2x128x128xf32, #tpu.memory_space<vmem>>, vector<1x1x16xf32>,
      %get3A_418 = vector.shape_cast %get3A_417 : vector<1x1x16xf32> to vector<16xf32>
      %add3A_419 = arith.addf %get3A_412, %get3A_418 : vector<16xf32>
      %swap3A = arith.constant 0 : i32
      %swap3A_420 = arith.index_cast %swap3A : i32 to index
      %swap3A_421 = arith.index_cast %scan3A_406 : i32 to index
      %swap3A_422 = arith.constant 0 : index
      %swap3A_423 = tpu.vector_load %arg10[%swap3A_420, %swap3A_421, %swap3A_422] {strides = array<i32>} : memref<2x128x128xf32, #tpu.memory_space<vmem>>, vector<1x1x16xf32>,
      %swap3A_424 = vector.shape_cast %swap3A_423 : vector<1x1x16xf32> to vector<16xf32>
      %swap3A_425 = vector.shape_cast %add3A_419 : vector<16xf32> to vector<1x1x16xf32>
      tpu.vector_store %arg10[%swap3A_420, %swap3A_421, %swap3A_422], %swap3A_425 {strides = array<i32>} : memref<2x128x128xf32, #tpu.memory_space<vmem>>, vector<1x1x16xf32>,
      %get3A_426 = arith.constant 0 : i32
      %get3A_427 = arith.index_cast %get3A_426 : i32 to index
      %get3A_428 = arith.index_cast %scan3A_406 : i32 to index
      %get3A_429 = arith.constant 16 : index
      %get3A_430 = tpu.vector_load %arg8[%get3A_427, %get3A_428, %get3A_429] {strides = array<i32>} : memref<2x128x128xf32, #tpu.memory_space<vmem>>, vector<1x1x16xf32>,
      %get3A_431 = vector.shape_cast %get3A_430 : vector<1x1x16xf32> to vector<16xf32>
      %get3A_432 = arith.constant 0 : i32
      %get3A_433 = arith.index_cast %get3A_432 : i32 to index
      %get3A_434 = arith.index_cast %scan3A_406 : i32 to index
      %get3A_435 = arith.constant 16 : index
      %get3A_436 = tpu.vector_load %arg9[%get3A_433, %get3A_434, %get3A_435] {strides = array<i32>} : memref<2x128x128xf32, #tpu.memory_space<vmem>>, vector<1x1x16xf32>,
      %get3A_437 = vector.shape_cast %get3A_436 : vector<1x1x16xf32> to vector<16xf32>
      %add3A_438 = arith.addf %get3A_431, %get3A_437 : vector<16xf32>
      %swap3A_439 = arith.constant 0 : i32
      %swap3A_440 = arith.index_cast %swap3A_439 : i32 to index
      %swap3A_441 = arith.index_cast %scan3A_406 : i32 to index
      %swap3A_442 = arith.constant 16 : index
      %swap3A_443 = tpu.vector_load %arg10[%swap3A_440, %swap3A_441, %swap3A_442] {strides = array<i32>} : memref<2x128x128xf32, #tpu.memory_space<vmem>>, vector<1x1x16xf32>,
      %swap3A_444 = vector.shape_cast %swap3A_443 : vector<1x1x16xf32> to vector<16xf32>
      %swap3A_445 = vector.shape_cast %add3A_438 : vector<16xf32> to vector<1x1x16xf32>
      tpu.vector_store %arg10[%swap3A_440, %swap3A_441, %swap3A_442], %swap3A_445 {strides = array<i32>} : memref<2x128x128xf32, #tpu.memory_space<vmem>>, vector<1x1x16xf32>,
      %get3A_446 = arith.constant 0 : i32
      %get3A_447 = arith.index_cast %get3A_446 : i32 to index
      %get3A_448 = arith.index_cast %scan3A_406 : i32 to index
      %get3A_449 = arith.constant 32 : index
      %get3A_450 = tpu.vector_load %arg8[%get3A_447, %get3A_448, %get3A_449] {strides = array<i32>} : memref<2x128x128xf32, #tpu.memory_space<vmem>>, vector<1x1x16xf32>,
      %get3A_451 = vector.shape_cast %get3A_450 : vector<1x1x16xf32> to vector<16xf32>
      %get3A_452 = arith.constant 0 : i32
      %get3A_453 = arith.index_cast %get3A_452 : i32 to index
      %get3A_454 = arith.index_cast %scan3A_406 : i32 to index
      %get3A_455 = arith.constant 32 : index
      %get3A_456 = tpu.vector_load %arg9[%get3A_453, %get3A_454, %get3A_455] {strides = array<i32>} : memref<2x128x128xf32, #tpu.memory_space<vmem>>, vector<1x1x16xf32>,
      %get3A_457 = vector.shape_cast %get3A_456 : vector<1x1x16xf32> to vector<16xf32>
      %add3A_458 = arith.addf %get3A_451, %get3A_457 : vector<16xf32>
      %swap3A_459 = arith.constant 0 : i32
      %swap3A_460 = arith.index_cast %swap3A_459 : i32 to index
      %swap3A_461 = arith.index_cast %scan3A_406 : i32 to index
      %swap3A_462 = arith.constant 32 : index
      %swap3A_463 = tpu.vector_load %arg10[%swap3A_460, %swap3A_461, %swap3A_462] {strides = array<i32>} : memref<2x128x128xf32, #tpu.memory_space<vmem>>, vector<1x1x16xf32>,
      %swap3A_464 = vector.shape_cast %swap3A_463 : vector<1x1x16xf32> to vector<16xf32>
      %swap3A_465 = vector.shape_cast %add3A_458 : vector<16xf32> to vector<1x1x16xf32>
      tpu.vector_store %arg10[%swap3A_460, %swap3A_461, %swap3A_462], %swap3A_465 {strides = array<i32>} : memref<2x128x128xf32, #tpu.memory_space<vmem>>, vector<1x1x16xf32>,
      %get3A_466 = arith.constant 0 : i32
      %get3A_467 = arith.index_cast %get3A_466 : i32 to index
      %get3A_468 = arith.index_cast %scan3A_406 : i32 to index
      %get3A_469 = arith.constant 48 : index
      %get3A_470 = tpu.vector_load %arg8[%get3A_467, %get3A_468, %get3A_469] {strides = array<i32>} : memref<2x128x128xf32, #tpu.memory_space<vmem>>, vector<1x1x16xf32>,
      %get3A_471 = vector.shape_cast %get3A_470 : vector<1x1x16xf32> to vector<16xf32>
      %get3A_472 = arith.constant 0 : i32
      %get3A_473 = arith.index_cast %get3A_472 : i32 to index
      %get3A_474 = arith.index_cast %scan3A_406 : i32 to index
      %get3A_475 = arith.constant 48 : index
      %get3A_476 = tpu.vector_load %arg9[%get3A_473, %get3A_474, %get3A_475] {strides = array<i32>} : memref<2x128x128xf32, #tpu.memory_space<vmem>>, vector<1x1x16xf32>,
      %get3A_477 = vector.shape_cast %get3A_476 : vector<1x1x16xf32> to vector<16xf32>
      %add3A_478 = arith.addf %get3A_471, %get3A_477 : vector<16xf32>
      %swap3A_479 = arith.constant 0 : i32
      %swap3A_480 = arith.index_cast %swap3A_479 : i32 to index
      %swap3A_481 = arith.index_cast %scan3A_406 : i32 to index
      %swap3A_482 = arith.constant 48 : index
      %swap3A_483 = tpu.vector_load %arg10[%swap3A_480, %swap3A_481, %swap3A_482] {strides = array<i32>} : memref<2x128x128xf32, #tpu.memory_space<vmem>>, vector<1x1x16xf32>,
      %swap3A_484 = vector.shape_cast %swap3A_483 : vector<1x1x16xf32> to vector<16xf32>
      %swap3A_485 = vector.shape_cast %add3A_478 : vector<16xf32> to vector<1x1x16xf32>
      tpu.vector_store %arg10[%swap3A_480, %swap3A_481, %swap3A_482], %swap3A_485 {strides = array<i32>} : memref<2x128x128xf32, #tpu.memory_space<vmem>>, vector<1x1x16xf32>,
      %get3A_486 = arith.constant 0 : i32
      %get3A_487 = arith.index_cast %get3A_486 : i32 to index
      %get3A_488 = arith.index_cast %scan3A_406 : i32 to index
      %get3A_489 = arith.constant 64 : index
      %get3A_490 = tpu.vector_load %arg8[%get3A_487, %get3A_488, %get3A_489] {strides = array<i32>} : memref<2x128x128xf32, #tpu.memory_space<vmem>>, vector<1x1x16xf32>,
      %get3A_491 = vector.shape_cast %get3A_490 : vector<1x1x16xf32> to vector<16xf32>
      %get3A_492 = arith.constant 0 : i32
      %get3A_493 = arith.index_cast %get3A_492 : i32 to index
      %get3A_494 = arith.index_cast %scan3A_406 : i32 to index
      %get3A_495 = arith.constant 64 : index
      %get3A_496 = tpu.vector_load %arg9[%get3A_493, %get3A_494, %get3A_495] {strides = array<i32>} : memref<2x128x128xf32, #tpu.memory_space<vmem>>, vector<1x1x16xf32>,
      %get3A_497 = vector.shape_cast %get3A_496 : vector<1x1x16xf32> to vector<16xf32>
      %add3A_498 = arith.addf %get3A_491, %get3A_497 : vector<16xf32>
      %swap3A_499 = arith.constant 0 : i32
      %swap3A_500 = arith.index_cast %swap3A_499 : i32 to index
      %swap3A_501 = arith.index_cast %scan3A_406 : i32 to index
      %swap3A_502 = arith.constant 64 : index
      %swap3A_503 = tpu.vector_load %arg10[%swap3A_500, %swap3A_501, %swap3A_502] {strides = array<i32>} : memref<2x128x128xf32, #tpu.memory_space<vmem>>, vector<1x1x16xf32>,
      %swap3A_504 = vector.shape_cast %swap3A_503 : vector<1x1x16xf32> to vector<16xf32>
      %swap3A_505 = vector.shape_cast %add3A_498 : vector<16xf32> to vector<1x1x16xf32>
      tpu.vector_store %arg10[%swap3A_500, %swap3A_501, %swap3A_502], %swap3A_505 {strides = array<i32>} : memref<2x128x128xf32, #tpu.memory_space<vmem>>, vector<1x1x16xf32>,
      %get3A_506 = arith.constant 0 : i32
      %get3A_507 = arith.index_cast %get3A_506 : i32 to index
      %get3A_508 = arith.index_cast %scan3A_406 : i32 to index
      %get3A_509 = arith.constant 80 : index
      %get3A_510 = tpu.vector_load %arg8[%get3A_507, %get3A_508, %get3A_509] {strides = array<i32>} : memref<2x128x128xf32, #tpu.memory_space<vmem>>, vector<1x1x16xf32>,
      %get3A_511 = vector.shape_cast %get3A_510 : vector<1x1x16xf32> to vector<16xf32>
      %get3A_512 = arith.constant 0 : i32
      %get3A_513 = arith.index_cast %get3A_512 : i32 to index
      %get3A_514 = arith.index_cast %scan3A_406 : i32 to index
      %get3A_515 = arith.constant 80 : index
      %get3A_516 = tpu.vector_load %arg9[%get3A_513, %get3A_514, %get3A_515] {strides = array<i32>} : memref<2x128x128xf32, #tpu.memory_space<vmem>>, vector<1x1x16xf32>,
      %get3A_517 = vector.shape_cast %get3A_516 : vector<1x1x16xf32> to vector<16xf32>
      %add3A_518 = arith.addf %get3A_511, %get3A_517 : vector<16xf32>
      %swap3A_519 = arith.constant 0 : i32
      %swap3A_520 = arith.index_cast %swap3A_519 : i32 to index
      %swap3A_521 = arith.index_cast %scan3A_406 : i32 to index
      %swap3A_522 = arith.constant 80 : index
      %swap3A_523 = tpu.vector_load %arg10[%swap3A_520, %swap3A_521, %swap3A_522] {strides = array<i32>} : memref<2x128x128xf32, #tpu.memory_space<vmem>>, vector<1x1x16xf32>,
      %swap3A_524 = vector.shape_cast %swap3A_523 : vector<1x1x16xf32> to vector<16xf32>
      %swap3A_525 = vector.shape_cast %add3A_518 : vector<16xf32> to vector<1x1x16xf32>
      tpu.vector_store %arg10[%swap3A_520, %swap3A_521, %swap3A_522], %swap3A_525 {strides = array<i32>} : memref<2x128x128xf32, #tpu.memory_space<vmem>>, vector<1x1x16xf32>,
      %get3A_526 = arith.constant 0 : i32
      %get3A_527 = arith.index_cast %get3A_526 : i32 to index
      %get3A_528 = arith.index_cast %scan3A_406 : i32 to index
      %get3A_529 = arith.constant 96 : index
      %get3A_530 = tpu.vector_load %arg8[%get3A_527, %get3A_528, %get3A_529] {strides = array<i32>} : memref<2x128x128xf32, #tpu.memory_space<vmem>>, vector<1x1x16xf32>,
      %get3A_531 = vector.shape_cast %get3A_530 : vector<1x1x16xf32> to vector<16xf32>
      %get3A_532 = arith.constant 0 : i32
      %get3A_533 = arith.index_cast %get3A_532 : i32 to index
      %get3A_534 = arith.index_cast %scan3A_406 : i32 to index
      %get3A_535 = arith.constant 96 : index
      %get3A_536 = tpu.vector_load %arg9[%get3A_533, %get3A_534, %get3A_535] {strides = array<i32>} : memref<2x128x128xf32, #tpu.memory_space<vmem>>, vector<1x1x16xf32>,
      %get3A_537 = vector.shape_cast %get3A_536 : vector<1x1x16xf32> to vector<16xf32>
      %add3A_538 = arith.addf %get3A_531, %get3A_537 : vector<16xf32>
      %swap3A_539 = arith.constant 0 : i32
      %swap3A_540 = arith.index_cast %swap3A_539 : i32 to index
      %swap3A_541 = arith.index_cast %scan3A_406 : i32 to index
      %swap3A_542 = arith.constant 96 : index
      %swap3A_543 = tpu.vector_load %arg10[%swap3A_540, %swap3A_541, %swap3A_542] {strides = array<i32>} : memref<2x128x128xf32, #tpu.memory_space<vmem>>, vector<1x1x16xf32>,
      %swap3A_544 = vector.shape_cast %swap3A_543 : vector<1x1x16xf32> to vector<16xf32>
      %swap3A_545 = vector.shape_cast %add3A_538 : vector<16xf32> to vector<1x1x16xf32>
      tpu.vector_store %arg10[%swap3A_540, %swap3A_541, %swap3A_542], %swap3A_545 {strides = array<i32>} : memref<2x128x128xf32, #tpu.memory_space<vmem>>, vector<1x1x16xf32>,
      %get3A_546 = arith.constant 0 : i32
      %get3A_547 = arith.index_cast %get3A_546 : i32 to index
      %get3A_548 = arith.index_cast %scan3A_406 : i32 to index
      %get3A_549 = arith.constant 112 : index
      %get3A_550 = tpu.vector_load %arg8[%get3A_547, %get3A_548, %get3A_549] {strides = array<i32>} : memref<2x128x128xf32, #tpu.memory_space<vmem>>, vector<1x1x16xf32>,
      %get3A_551 = vector.shape_cast %get3A_550 : vector<1x1x16xf32> to vector<16xf32>
      %get3A_552 = arith.constant 0 : i32
      %get3A_553 = arith.index_cast %get3A_552 : i32 to index
      %get3A_554 = arith.index_cast %scan3A_406 : i32 to index
      %get3A_555 = arith.constant 112 : index
      %get3A_556 = tpu.vector_load %arg9[%get3A_553, %get3A_554, %get3A_555] {strides = array<i32>} : memref<2x128x128xf32, #tpu.memory_space<vmem>>, vector<1x1x16xf32>,
      %get3A_557 = vector.shape_cast %get3A_556 : vector<1x1x16xf32> to vector<16xf32>
      %add3A_558 = arith.addf %get3A_551, %get3A_557 : vector<16xf32>
      %swap3A_559 = arith.constant 0 : i32
      %swap3A_560 = arith.index_cast %swap3A_559 : i32 to index
      %swap3A_561 = arith.index_cast %scan3A_406 : i32 to index
      %swap3A_562 = arith.constant 112 : index
      %swap3A_563 = tpu.vector_load %arg10[%swap3A_560, %swap3A_561, %swap3A_562] {strides = array<i32>} : memref<2x128x128xf32, #tpu.memory_space<vmem>>, vector<1x1x16xf32>,
      %swap3A_564 = vector.shape_cast %swap3A_563 : vector<1x1x16xf32> to vector<16xf32>
      %swap3A_565 = vector.shape_cast %add3A_558 : vector<16xf32> to vector<1x1x16xf32>
      tpu.vector_store %arg10[%swap3A_560, %swap3A_561, %swap3A_562], %swap3A_565 {strides = array<i32>} : memref<2x128x128xf32, #tpu.memory_space<vmem>>, vector<1x1x16xf32>,
      %scan3A_566 = arith.constant 0 : i32
      scf.yield %scan3A_566 : i32
    }
    %scan3A_302 = arith.constant 128 : i32
    %dma_start3A_303 = arith.constant 0 : i32
    %dma_start3A_304 = arith.constant 0 : i32
    %dma_start3A_305 = arith.constant 0 : i32
    %dma_start3A_306 = arith.constant 0 : i32
    %dma_start3A_307 = tpu.memref_slice %arg10[%dma_start3A_303, %dma_start3A_305, %dma_start3A_306] : memref<2x128x128xf32, #tpu.memory_space<vmem>> -> memref<1x128x128xf32, #tpu.memory_space<vmem>>
    %dma_start3A_308 = tpu.memref_squeeze %dma_start3A_307 : memref<1x128x128xf32, #tpu.memory_space<vmem>> -> memref<128x128xf32, #tpu.memory_space<vmem>>
    %dma_start3A_309 = arith.constant 0 : i32
    %dma_start3A_310 = tpu.memref_slice %arg6[%add3A_295, %dma_start3A_309] : memref<16384x128xf32, #tpu.memory_space<hbm>> -> memref<128x128xf32, #tpu.memory_space<hbm>>
    %dma_start3A_311 = tpu.memref_slice %arg15[%dma_start3A_304] : memref<2x!tpu.dma_semaphore, #tpu.memory_space<semaphore_mem>> -> memref<1x!tpu.dma_semaphore, #tpu.memory_space<semaphore_mem>>
    %dma_start3A_312 = tpu.memref_squeeze %dma_start3A_311 : memref<1x!tpu.dma_semaphore, #tpu.memory_space<semaphore_mem>> -> memref<!tpu.dma_semaphore, #tpu.memory_space<semaphore_mem>>
    %dma_start3A_313 = arith.constant 0 : i32
    %dma_start3A_314 = tpu.memref_slice %arg6[%add3A_295, %dma_start3A_313] : memref<16384x128xf32, #tpu.memory_space<hbm>> -> memref<128x128xf32, #tpu.memory_space<hbm>>
    %dma_start3A_315 = arith.constant 0 : i32
    %dma_start3A_316 = arith.constant 0 : i32
    %dma_start3A_317 = tpu.memref_slice %arg10[%dma_start3A_303, %dma_start3A_315, %dma_start3A_316] : memref<2x128x128xf32, #tpu.memory_space<vmem>> -> memref<1x128x128xf32, #tpu.memory_space<vmem>>
    %dma_start3A_318 = tpu.memref_squeeze %dma_start3A_317 : memref<1x128x128xf32, #tpu.memory_space<vmem>> -> memref<128x128xf32, #tpu.memory_space<vmem>>
    tpu.enqueue_dma source(%dma_start3A_318 : memref<128x128xf32, #tpu.memory_space<vmem>>) target(%dma_start3A_314 : memref<128x128xf32, #tpu.memory_space<hbm>>) target_semaphore(%dma_start3A_312 : memref<!tpu.dma_semaphore, #tpu.memory_space<semaphore_mem>>)
    %dma_wait3A_319 = arith.constant 0 : i32
    %dma_wait3A_320 = arith.constant 0 : i32
    %dma_wait3A_321 = arith.constant 0 : i32
    %dma_wait3A_322 = arith.constant 0 : i32
    %dma_wait3A_323 = tpu.memref_slice %arg10[%dma_wait3A_319, %dma_wait3A_321, %dma_wait3A_322] : memref<2x128x128xf32, #tpu.memory_space<vmem>> -> memref<1x128x128xf32, #tpu.memory_space<vmem>>
    %dma_wait3A_324 = tpu.memref_squeeze %dma_wait3A_323 : memref<1x128x128xf32, #tpu.memory_space<vmem>> -> memref<128x128xf32, #tpu.memory_space<vmem>>
    %dma_wait3A_325 = arith.constant 0 : i32
    %dma_wait3A_326 = tpu.memref_slice %arg6[%add3A_295, %dma_wait3A_325] : memref<16384x128xf32, #tpu.memory_space<hbm>> -> memref<128x128xf32, #tpu.memory_space<hbm>>
    %dma_wait3A_327 = tpu.memref_slice %arg15[%dma_wait3A_320] : memref<2x!tpu.dma_semaphore, #tpu.memory_space<semaphore_mem>> -> memref<1x!tpu.dma_semaphore, #tpu.memory_space<semaphore_mem>>
    %dma_wait3A_328 = tpu.memref_squeeze %dma_wait3A_327 : memref<1x!tpu.dma_semaphore, #tpu.memory_space<semaphore_mem>> -> memref<!tpu.dma_semaphore, #tpu.memory_space<semaphore_mem>>
    %dma_wait3A_329 = arith.constant 0 : i32
    %dma_wait3A_330 = tpu.memref_slice %arg6[%add3A_295, %dma_wait3A_329] : memref<16384x128xf32, #tpu.memory_space<hbm>> -> memref<128x128xf32, #tpu.memory_space<hbm>>
    %dma_wait3A_331 = arith.constant 0 : i32
    %dma_wait3A_332 = arith.constant 0 : i32
    %dma_wait3A_333 = tpu.memref_slice %arg10[%dma_wait3A_319, %dma_wait3A_331, %dma_wait3A_332] : memref<2x128x128xf32, #tpu.memory_space<vmem>> -> memref<1x128x128xf32, #tpu.memory_space<vmem>>
    %dma_wait3A_334 = tpu.memref_squeeze %dma_wait3A_333 : memref<1x128x128xf32, #tpu.memory_space<vmem>> -> memref<128x128xf32, #tpu.memory_space<vmem>>
    tpu.wait_dma2 semaphore(%dma_wait3A_328 : memref<!tpu.dma_semaphore, #tpu.memory_space<semaphore_mem>>) src(%dma_wait3A_334 : memref<128x128xf32, #tpu.memory_space<vmem>>) dst(%dma_wait3A_330 : memref<128x128xf32, #tpu.memory_space<hbm>>)
    %dma_wait3A_335 = arith.constant 3 : i32
    %dma_wait3A_336 = arith.constant 1 : i32
    %dma_wait3A_337 = arith.constant 1 : i32
    %dma_wait3A_338 = arith.constant 0 : i32
    %dma_wait3A_339 = arith.constant 0 : i32
    %dma_wait3A_340 = tpu.memref_slice %arg8[%dma_wait3A_336, %dma_wait3A_338, %dma_wait3A_339] : memref<2x128x128xf32, #tpu.memory_space<vmem>> -> memref<1x128x128xf32, #tpu.memory_space<vmem>>
    %dma_wait3A_341 = tpu.memref_squeeze %dma_wait3A_340 : memref<1x128x128xf32, #tpu.memory_space<vmem>> -> memref<128x128xf32, #tpu.memory_space<vmem>>
    %dma_wait3A_342 = arith.constant 0 : i32
    %dma_wait3A_343 = tpu.memref_slice %arg7[%dma_wait3A_335, %dma_wait3A_342] : memref<4x128xi32, #tpu.memory_space<vmem>> -> memref<1x128xi32, #tpu.memory_space<vmem>>
    %dma_wait3A_344 = tpu.memref_squeeze %dma_wait3A_343 : memref<1x128xi32, #tpu.memory_space<vmem>> -> memref<128xi32, #tpu.memory_space<vmem>>
    %dma_wait3A_345 = arith.constant 0 : i32
    %dma_wait3A_346 = arith.constant 0 : i32
    %dma_wait3A_347 = tpu.memref_slice %arg3[%dma_wait3A_345, %dma_wait3A_346] : memref<100001x128xf32, #tpu.memory_space<hbm>> -> memref<100001x128xf32, #tpu.memory_space<hbm>>
    %dma_wait3A_348 = tpu.memref_slice %arg11[%dma_wait3A_337] : memref<2x!tpu.dma_semaphore, #tpu.memory_space<semaphore_mem>> -> memref<1x!tpu.dma_semaphore, #tpu.memory_space<semaphore_mem>>
    %dma_wait3A_349 = tpu.memref_squeeze %dma_wait3A_348 : memref<1x!tpu.dma_semaphore, #tpu.memory_space<semaphore_mem>> -> memref<!tpu.dma_semaphore, #tpu.memory_space<semaphore_mem>>
    tpu.wait_indirect_dma semaphore(%dma_wait3A_349 : memref<!tpu.dma_semaphore, #tpu.memory_space<semaphore_mem>>) src(%dma_wait3A_347 : memref<100001x128xf32, #tpu.memory_space<hbm>>) dst(%dma_wait3A_341 : memref<128x128xf32, #tpu.memory_space<vmem>>)
    %dma_wait3A_350 = arith.constant 3 : i32
    %dma_wait3A_351 = arith.constant 1 : i32
    %dma_wait3A_352 = arith.constant 1 : i32
    %dma_wait3A_353 = arith.constant 0 : i32
    %dma_wait3A_354 = arith.constant 0 : i32
    %dma_wait3A_355 = tpu.memref_slice %arg9[%dma_wait3A_351, %dma_wait3A_353, %dma_wait3A_354] : memref<2x128x128xf32, #tpu.memory_space<vmem>> -> memref<1x128x128xf32, #tpu.memory_space<vmem>>
    %dma_wait3A_356 = tpu.memref_squeeze %dma_wait3A_355 : memref<1x128x128xf32, #tpu.memory_space<vmem>> -> memref<128x128xf32, #tpu.memory_space<vmem>>
    %dma_wait3A_357 = arith.constant 0 : i32
    %dma_wait3A_358 = tpu.memref_slice %arg7[%dma_wait3A_350, %dma_wait3A_357] : memref<4x128xi32, #tpu.memory_space<vmem>> -> memref<1x128xi32, #tpu.memory_space<vmem>>
    %dma_wait3A_359 = tpu.memref_squeeze %dma_wait3A_358 : memref<1x128xi32, #tpu.memory_space<vmem>> -> memref<128xi32, #tpu.memory_space<vmem>>
    %dma_wait3A_360 = arith.constant 0 : i32
    %dma_wait3A_361 = arith.constant 0 : i32
    %dma_wait3A_362 = tpu.memref_slice %arg4[%dma_wait3A_360, %dma_wait3A_361] : memref<100001x128xf32, #tpu.memory_space<hbm>> -> memref<100001x128xf32, #tpu.memory_space<hbm>>
    %dma_wait3A_363 = tpu.memref_slice %arg12[%dma_wait3A_352] : memref<2x!tpu.dma_semaphore, #tpu.memory_space<semaphore_mem>> -> memref<1x!tpu.dma_semaphore, #tpu.memory_space<semaphore_mem>>
    %dma_wait3A_364 = tpu.memref_squeeze %dma_wait3A_363 : memref<1x!tpu.dma_semaphore, #tpu.memory_space<semaphore_mem>> -> memref<!tpu.dma_semaphore, #tpu.memory_space<semaphore_mem>>
    tpu.wait_indirect_dma semaphore(%dma_wait3A_364 : memref<!tpu.dma_semaphore, #tpu.memory_space<semaphore_mem>>) src(%dma_wait3A_362 : memref<100001x128xf32, #tpu.memory_space<hbm>>) dst(%dma_wait3A_356 : memref<128x128xf32, #tpu.memory_space<vmem>>)
    %add3A_365 = arith.constant 384 : i32
    %add3A_366 = arith.addi %mul3A_2, %add3A_365 : i32
    %scan3A_367 = arith.constant 0 : i32
    %scan3A_368 = arith.constant 0 : i32
    %scan3A_369 = arith.constant 128 : i32
    %scan3A_370 = arith.addi %scan3A_368, %scan3A_369 : i32
    %scan3A_371 = arith.constant 1 : i32
    %scan3A_372 = scf.for %scan3A_406 = %scan3A_368 to %scan3A_370 step %scan3A_371 iter_args(%scan3A_407 = %scan3A_367) -> (i32)  : i32 {
      %get3A = arith.constant 1 : i32
      %get3A_408 = arith.index_cast %get3A : i32 to index
      %get3A_409 = arith.index_cast %scan3A_406 : i32 to index
      %get3A_410 = arith.constant 0 : index
      %get3A_411 = tpu.vector_load %arg8[%get3A_408, %get3A_409, %get3A_410] {strides = array<i32>} : memref<2x128x128xf32, #tpu.memory_space<vmem>>, vector<1x1x16xf32>,
      %get3A_412 = vector.shape_cast %get3A_411 : vector<1x1x16xf32> to vector<16xf32>
      %get3A_413 = arith.constant 1 : i32
      %get3A_414 = arith.index_cast %get3A_413 : i32 to index
      %get3A_415 = arith.index_cast %scan3A_406 : i32 to index
      %get3A_416 = arith.constant 0 : index
      %get3A_417 = tpu.vector_load %arg9[%get3A_414, %get3A_415, %get3A_416] {strides = array<i32>} : memref<2x128x128xf32, #tpu.memory_space<vmem>>, vector<1x1x16xf32>,
      %get3A_418 = vector.shape_cast %get3A_417 : vector<1x1x16xf32> to vector<16xf32>
      %add3A_419 = arith.addf %get3A_412, %get3A_418 : vector<16xf32>
      %swap3A = arith.constant 1 : i32
      %swap3A_420 = arith.index_cast %swap3A : i32 to index
      %swap3A_421 = arith.index_cast %scan3A_406 : i32 to index
      %swap3A_422 = arith.constant 0 : index
      %swap3A_423 = tpu.vector_load %arg10[%swap3A_420, %swap3A_421, %swap3A_422] {strides = array<i32>} : memref<2x128x128xf32, #tpu.memory_space<vmem>>, vector<1x1x16xf32>,
      %swap3A_424 = vector.shape_cast %swap3A_423 : vector<1x1x16xf32> to vector<16xf32>
      %swap3A_425 = vector.shape_cast %add3A_419 : vector<16xf32> to vector<1x1x16xf32>
      tpu.vector_store %arg10[%swap3A_420, %swap3A_421, %swap3A_422], %swap3A_425 {strides = array<i32>} : memref<2x128x128xf32, #tpu.memory_space<vmem>>, vector<1x1x16xf32>,
      %get3A_426 = arith.constant 1 : i32
      %get3A_427 = arith.index_cast %get3A_426 : i32 to index
      %get3A_428 = arith.index_cast %scan3A_406 : i32 to index
      %get3A_429 = arith.constant 16 : index
      %get3A_430 = tpu.vector_load %arg8[%get3A_427, %get3A_428, %get3A_429] {strides = array<i32>} : memref<2x128x128xf32, #tpu.memory_space<vmem>>, vector<1x1x16xf32>,
      %get3A_431 = vector.shape_cast %get3A_430 : vector<1x1x16xf32> to vector<16xf32>
      %get3A_432 = arith.constant 1 : i32
      %get3A_433 = arith.index_cast %get3A_432 : i32 to index
      %get3A_434 = arith.index_cast %scan3A_406 : i32 to index
      %get3A_435 = arith.constant 16 : index
      %get3A_436 = tpu.vector_load %arg9[%get3A_433, %get3A_434, %get3A_435] {strides = array<i32>} : memref<2x128x128xf32, #tpu.memory_space<vmem>>, vector<1x1x16xf32>,
      %get3A_437 = vector.shape_cast %get3A_436 : vector<1x1x16xf32> to vector<16xf32>
      %add3A_438 = arith.addf %get3A_431, %get3A_437 : vector<16xf32>
      %swap3A_439 = arith.constant 1 : i32
      %swap3A_440 = arith.index_cast %swap3A_439 : i32 to index
      %swap3A_441 = arith.index_cast %scan3A_406 : i32 to index
      %swap3A_442 = arith.constant 16 : index
      %swap3A_443 = tpu.vector_load %arg10[%swap3A_440, %swap3A_441, %swap3A_442] {strides = array<i32>} : memref<2x128x128xf32, #tpu.memory_space<vmem>>, vector<1x1x16xf32>,
      %swap3A_444 = vector.shape_cast %swap3A_443 : vector<1x1x16xf32> to vector<16xf32>
      %swap3A_445 = vector.shape_cast %add3A_438 : vector<16xf32> to vector<1x1x16xf32>
      tpu.vector_store %arg10[%swap3A_440, %swap3A_441, %swap3A_442], %swap3A_445 {strides = array<i32>} : memref<2x128x128xf32, #tpu.memory_space<vmem>>, vector<1x1x16xf32>,
      %get3A_446 = arith.constant 1 : i32
      %get3A_447 = arith.index_cast %get3A_446 : i32 to index
      %get3A_448 = arith.index_cast %scan3A_406 : i32 to index
      %get3A_449 = arith.constant 32 : index
      %get3A_450 = tpu.vector_load %arg8[%get3A_447, %get3A_448, %get3A_449] {strides = array<i32>} : memref<2x128x128xf32, #tpu.memory_space<vmem>>, vector<1x1x16xf32>,
      %get3A_451 = vector.shape_cast %get3A_450 : vector<1x1x16xf32> to vector<16xf32>
      %get3A_452 = arith.constant 1 : i32
      %get3A_453 = arith.index_cast %get3A_452 : i32 to index
      %get3A_454 = arith.index_cast %scan3A_406 : i32 to index
      %get3A_455 = arith.constant 32 : index
      %get3A_456 = tpu.vector_load %arg9[%get3A_453, %get3A_454, %get3A_455] {strides = array<i32>} : memref<2x128x128xf32, #tpu.memory_space<vmem>>, vector<1x1x16xf32>,
      %get3A_457 = vector.shape_cast %get3A_456 : vector<1x1x16xf32> to vector<16xf32>
      %add3A_458 = arith.addf %get3A_451, %get3A_457 : vector<16xf32>
      %swap3A_459 = arith.constant 1 : i32
      %swap3A_460 = arith.index_cast %swap3A_459 : i32 to index
      %swap3A_461 = arith.index_cast %scan3A_406 : i32 to index
      %swap3A_462 = arith.constant 32 : index
      %swap3A_463 = tpu.vector_load %arg10[%swap3A_460, %swap3A_461, %swap3A_462] {strides = array<i32>} : memref<2x128x128xf32, #tpu.memory_space<vmem>>, vector<1x1x16xf32>,
      %swap3A_464 = vector.shape_cast %swap3A_463 : vector<1x1x16xf32> to vector<16xf32>
      %swap3A_465 = vector.shape_cast %add3A_458 : vector<16xf32> to vector<1x1x16xf32>
      tpu.vector_store %arg10[%swap3A_460, %swap3A_461, %swap3A_462], %swap3A_465 {strides = array<i32>} : memref<2x128x128xf32, #tpu.memory_space<vmem>>, vector<1x1x16xf32>,
      %get3A_466 = arith.constant 1 : i32
      %get3A_467 = arith.index_cast %get3A_466 : i32 to index
      %get3A_468 = arith.index_cast %scan3A_406 : i32 to index
      %get3A_469 = arith.constant 48 : index
      %get3A_470 = tpu.vector_load %arg8[%get3A_467, %get3A_468, %get3A_469] {strides = array<i32>} : memref<2x128x128xf32, #tpu.memory_space<vmem>>, vector<1x1x16xf32>,
      %get3A_471 = vector.shape_cast %get3A_470 : vector<1x1x16xf32> to vector<16xf32>
      %get3A_472 = arith.constant 1 : i32
      %get3A_473 = arith.index_cast %get3A_472 : i32 to index
      %get3A_474 = arith.index_cast %scan3A_406 : i32 to index
      %get3A_475 = arith.constant 48 : index
      %get3A_476 = tpu.vector_load %arg9[%get3A_473, %get3A_474, %get3A_475] {strides = array<i32>} : memref<2x128x128xf32, #tpu.memory_space<vmem>>, vector<1x1x16xf32>,
      %get3A_477 = vector.shape_cast %get3A_476 : vector<1x1x16xf32> to vector<16xf32>
      %add3A_478 = arith.addf %get3A_471, %get3A_477 : vector<16xf32>
      %swap3A_479 = arith.constant 1 : i32
      %swap3A_480 = arith.index_cast %swap3A_479 : i32 to index
      %swap3A_481 = arith.index_cast %scan3A_406 : i32 to index
      %swap3A_482 = arith.constant 48 : index
      %swap3A_483 = tpu.vector_load %arg10[%swap3A_480, %swap3A_481, %swap3A_482] {strides = array<i32>} : memref<2x128x128xf32, #tpu.memory_space<vmem>>, vector<1x1x16xf32>,
      %swap3A_484 = vector.shape_cast %swap3A_483 : vector<1x1x16xf32> to vector<16xf32>
      %swap3A_485 = vector.shape_cast %add3A_478 : vector<16xf32> to vector<1x1x16xf32>
      tpu.vector_store %arg10[%swap3A_480, %swap3A_481, %swap3A_482], %swap3A_485 {strides = array<i32>} : memref<2x128x128xf32, #tpu.memory_space<vmem>>, vector<1x1x16xf32>,
      %get3A_486 = arith.constant 1 : i32
      %get3A_487 = arith.index_cast %get3A_486 : i32 to index
      %get3A_488 = arith.index_cast %scan3A_406 : i32 to index
      %get3A_489 = arith.constant 64 : index
      %get3A_490 = tpu.vector_load %arg8[%get3A_487, %get3A_488, %get3A_489] {strides = array<i32>} : memref<2x128x128xf32, #tpu.memory_space<vmem>>, vector<1x1x16xf32>,
      %get3A_491 = vector.shape_cast %get3A_490 : vector<1x1x16xf32> to vector<16xf32>
      %get3A_492 = arith.constant 1 : i32
      %get3A_493 = arith.index_cast %get3A_492 : i32 to index
      %get3A_494 = arith.index_cast %scan3A_406 : i32 to index
      %get3A_495 = arith.constant 64 : index
      %get3A_496 = tpu.vector_load %arg9[%get3A_493, %get3A_494, %get3A_495] {strides = array<i32>} : memref<2x128x128xf32, #tpu.memory_space<vmem>>, vector<1x1x16xf32>,
      %get3A_497 = vector.shape_cast %get3A_496 : vector<1x1x16xf32> to vector<16xf32>
      %add3A_498 = arith.addf %get3A_491, %get3A_497 : vector<16xf32>
      %swap3A_499 = arith.constant 1 : i32
      %swap3A_500 = arith.index_cast %swap3A_499 : i32 to index
      %swap3A_501 = arith.index_cast %scan3A_406 : i32 to index
      %swap3A_502 = arith.constant 64 : index
      %swap3A_503 = tpu.vector_load %arg10[%swap3A_500, %swap3A_501, %swap3A_502] {strides = array<i32>} : memref<2x128x128xf32, #tpu.memory_space<vmem>>, vector<1x1x16xf32>,
      %swap3A_504 = vector.shape_cast %swap3A_503 : vector<1x1x16xf32> to vector<16xf32>
      %swap3A_505 = vector.shape_cast %add3A_498 : vector<16xf32> to vector<1x1x16xf32>
      tpu.vector_store %arg10[%swap3A_500, %swap3A_501, %swap3A_502], %swap3A_505 {strides = array<i32>} : memref<2x128x128xf32, #tpu.memory_space<vmem>>, vector<1x1x16xf32>,
      %get3A_506 = arith.constant 1 : i32
      %get3A_507 = arith.index_cast %get3A_506 : i32 to index
      %get3A_508 = arith.index_cast %scan3A_406 : i32 to index
      %get3A_509 = arith.constant 80 : index
      %get3A_510 = tpu.vector_load %arg8[%get3A_507, %get3A_508, %get3A_509] {strides = array<i32>} : memref<2x128x128xf32, #tpu.memory_space<vmem>>, vector<1x1x16xf32>,
      %get3A_511 = vector.shape_cast %get3A_510 : vector<1x1x16xf32> to vector<16xf32>
      %get3A_512 = arith.constant 1 : i32
      %get3A_513 = arith.index_cast %get3A_512 : i32 to index
      %get3A_514 = arith.index_cast %scan3A_406 : i32 to index
      %get3A_515 = arith.constant 80 : index
      %get3A_516 = tpu.vector_load %arg9[%get3A_513, %get3A_514, %get3A_515] {strides = array<i32>} : memref<2x128x128xf32, #tpu.memory_space<vmem>>, vector<1x1x16xf32>,
      %get3A_517 = vector.shape_cast %get3A_516 : vector<1x1x16xf32> to vector<16xf32>
      %add3A_518 = arith.addf %get3A_511, %get3A_517 : vector<16xf32>
      %swap3A_519 = arith.constant 1 : i32
      %swap3A_520 = arith.index_cast %swap3A_519 : i32 to index
      %swap3A_521 = arith.index_cast %scan3A_406 : i32 to index
      %swap3A_522 = arith.constant 80 : index
      %swap3A_523 = tpu.vector_load %arg10[%swap3A_520, %swap3A_521, %swap3A_522] {strides = array<i32>} : memref<2x128x128xf32, #tpu.memory_space<vmem>>, vector<1x1x16xf32>,
      %swap3A_524 = vector.shape_cast %swap3A_523 : vector<1x1x16xf32> to vector<16xf32>
      %swap3A_525 = vector.shape_cast %add3A_518 : vector<16xf32> to vector<1x1x16xf32>
      tpu.vector_store %arg10[%swap3A_520, %swap3A_521, %swap3A_522], %swap3A_525 {strides = array<i32>} : memref<2x128x128xf32, #tpu.memory_space<vmem>>, vector<1x1x16xf32>,
      %get3A_526 = arith.constant 1 : i32
      %get3A_527 = arith.index_cast %get3A_526 : i32 to index
      %get3A_528 = arith.index_cast %scan3A_406 : i32 to index
      %get3A_529 = arith.constant 96 : index
      %get3A_530 = tpu.vector_load %arg8[%get3A_527, %get3A_528, %get3A_529] {strides = array<i32>} : memref<2x128x128xf32, #tpu.memory_space<vmem>>, vector<1x1x16xf32>,
      %get3A_531 = vector.shape_cast %get3A_530 : vector<1x1x16xf32> to vector<16xf32>
      %get3A_532 = arith.constant 1 : i32
      %get3A_533 = arith.index_cast %get3A_532 : i32 to index
      %get3A_534 = arith.index_cast %scan3A_406 : i32 to index
      %get3A_535 = arith.constant 96 : index
      %get3A_536 = tpu.vector_load %arg9[%get3A_533, %get3A_534, %get3A_535] {strides = array<i32>} : memref<2x128x128xf32, #tpu.memory_space<vmem>>, vector<1x1x16xf32>,
      %get3A_537 = vector.shape_cast %get3A_536 : vector<1x1x16xf32> to vector<16xf32>
      %add3A_538 = arith.addf %get3A_531, %get3A_537 : vector<16xf32>
      %swap3A_539 = arith.constant 1 : i32
      %swap3A_540 = arith.index_cast %swap3A_539 : i32 to index
      %swap3A_541 = arith.index_cast %scan3A_406 : i32 to index
      %swap3A_542 = arith.constant 96 : index
      %swap3A_543 = tpu.vector_load %arg10[%swap3A_540, %swap3A_541, %swap3A_542] {strides = array<i32>} : memref<2x128x128xf32, #tpu.memory_space<vmem>>, vector<1x1x16xf32>,
      %swap3A_544 = vector.shape_cast %swap3A_543 : vector<1x1x16xf32> to vector<16xf32>
      %swap3A_545 = vector.shape_cast %add3A_538 : vector<16xf32> to vector<1x1x16xf32>
      tpu.vector_store %arg10[%swap3A_540, %swap3A_541, %swap3A_542], %swap3A_545 {strides = array<i32>} : memref<2x128x128xf32, #tpu.memory_space<vmem>>, vector<1x1x16xf32>,
      %get3A_546 = arith.constant 1 : i32
      %get3A_547 = arith.index_cast %get3A_546 : i32 to index
      %get3A_548 = arith.index_cast %scan3A_406 : i32 to index
      %get3A_549 = arith.constant 112 : index
      %get3A_550 = tpu.vector_load %arg8[%get3A_547, %get3A_548, %get3A_549] {strides = array<i32>} : memref<2x128x128xf32, #tpu.memory_space<vmem>>, vector<1x1x16xf32>,
      %get3A_551 = vector.shape_cast %get3A_550 : vector<1x1x16xf32> to vector<16xf32>
      %get3A_552 = arith.constant 1 : i32
      %get3A_553 = arith.index_cast %get3A_552 : i32 to index
      %get3A_554 = arith.index_cast %scan3A_406 : i32 to index
      %get3A_555 = arith.constant 112 : index
      %get3A_556 = tpu.vector_load %arg9[%get3A_553, %get3A_554, %get3A_555] {strides = array<i32>} : memref<2x128x128xf32, #tpu.memory_space<vmem>>, vector<1x1x16xf32>,
      %get3A_557 = vector.shape_cast %get3A_556 : vector<1x1x16xf32> to vector<16xf32>
      %add3A_558 = arith.addf %get3A_551, %get3A_557 : vector<16xf32>
      %swap3A_559 = arith.constant 1 : i32
      %swap3A_560 = arith.index_cast %swap3A_559 : i32 to index
      %swap3A_561 = arith.index_cast %scan3A_406 : i32 to index
      %swap3A_562 = arith.constant 112 : index
      %swap3A_563 = tpu.vector_load %arg10[%swap3A_560, %swap3A_561, %swap3A_562] {strides = array<i32>} : memref<2x128x128xf32, #tpu.memory_space<vmem>>, vector<1x1x16xf32>,
      %swap3A_564 = vector.shape_cast %swap3A_563 : vector<1x1x16xf32> to vector<16xf32>
      %swap3A_565 = vector.shape_cast %add3A_558 : vector<16xf32> to vector<1x1x16xf32>
      tpu.vector_store %arg10[%swap3A_560, %swap3A_561, %swap3A_562], %swap3A_565 {strides = array<i32>} : memref<2x128x128xf32, #tpu.memory_space<vmem>>, vector<1x1x16xf32>,
      %scan3A_566 = arith.constant 0 : i32
      scf.yield %scan3A_566 : i32
    }
    %scan3A_373 = arith.constant 128 : i32
    %dma_start3A_374 = arith.constant 1 : i32
    %dma_start3A_375 = arith.constant 1 : i32
    %dma_start3A_376 = arith.constant 0 : i32
    %dma_start3A_377 = arith.constant 0 : i32
    %dma_start3A_378 = tpu.memref_slice %arg10[%dma_start3A_374, %dma_start3A_376, %dma_start3A_377] : memref<2x128x128xf32, #tpu.memory_space<vmem>> -> memref<1x128x128xf32, #tpu.memory_space<vmem>>
    %dma_start3A_379 = tpu.memref_squeeze %dma_start3A_378 : memref<1x128x128xf32, #tpu.memory_space<vmem>> -> memref<128x128xf32, #tpu.memory_space<vmem>>
    %dma_start3A_380 = arith.constant 0 : i32
    %dma_start3A_381 = tpu.memref_slice %arg6[%add3A_366, %dma_start3A_380] : memref<16384x128xf32, #tpu.memory_space<hbm>> -> memref<128x128xf32, #tpu.memory_space<hbm>>
    %dma_start3A_382 = tpu.memref_slice %arg15[%dma_start3A_375] : memref<2x!tpu.dma_semaphore, #tpu.memory_space<semaphore_mem>> -> memref<1x!tpu.dma_semaphore, #tpu.memory_space<semaphore_mem>>
    %dma_start3A_383 = tpu.memref_squeeze %dma_start3A_382 : memref<1x!tpu.dma_semaphore, #tpu.memory_space<semaphore_mem>> -> memref<!tpu.dma_semaphore, #tpu.memory_space<semaphore_mem>>
    %dma_start3A_384 = arith.constant 0 : i32
    %dma_start3A_385 = tpu.memref_slice %arg6[%add3A_366, %dma_start3A_384] : memref<16384x128xf32, #tpu.memory_space<hbm>> -> memref<128x128xf32, #tpu.memory_space<hbm>>
    %dma_start3A_386 = arith.constant 0 : i32
    %dma_start3A_387 = arith.constant 0 : i32
    %dma_start3A_388 = tpu.memref_slice %arg10[%dma_start3A_374, %dma_start3A_386, %dma_start3A_387] : memref<2x128x128xf32, #tpu.memory_space<vmem>> -> memref<1x128x128xf32, #tpu.memory_space<vmem>>
    %dma_start3A_389 = tpu.memref_squeeze %dma_start3A_388 : memref<1x128x128xf32, #tpu.memory_space<vmem>> -> memref<128x128xf32, #tpu.memory_space<vmem>>
    tpu.enqueue_dma source(%dma_start3A_389 : memref<128x128xf32, #tpu.memory_space<vmem>>) target(%dma_start3A_385 : memref<128x128xf32, #tpu.memory_space<hbm>>) target_semaphore(%dma_start3A_383 : memref<!tpu.dma_semaphore, #tpu.memory_space<semaphore_mem>>)
    %dma_wait3A_390 = arith.constant 1 : i32
    %dma_wait3A_391 = arith.constant 1 : i32
    %dma_wait3A_392 = arith.constant 0 : i32
    %dma_wait3A_393 = arith.constant 0 : i32
    %dma_wait3A_394 = tpu.memref_slice %arg10[%dma_wait3A_390, %dma_wait3A_392, %dma_wait3A_393] : memref<2x128x128xf32, #tpu.memory_space<vmem>> -> memref<1x128x128xf32, #tpu.memory_space<vmem>>
    %dma_wait3A_395 = tpu.memref_squeeze %dma_wait3A_394 : memref<1x128x128xf32, #tpu.memory_space<vmem>> -> memref<128x128xf32, #tpu.memory_space<vmem>>
    %dma_wait3A_396 = arith.constant 0 : i32
    %dma_wait3A_397 = tpu.memref_slice %arg6[%add3A_366, %dma_wait3A_396] : memref<16384x128xf32, #tpu.memory_space<hbm>> -> memref<128x128xf32, #tpu.memory_space<hbm>>
    %dma_wait3A_398 = tpu.memref_slice %arg15[%dma_wait3A_391] : memref<2x!tpu.dma_semaphore, #tpu.memory_space<semaphore_mem>> -> memref<1x!tpu.dma_semaphore, #tpu.memory_space<semaphore_mem>>
    %dma_wait3A_399 = tpu.memref_squeeze %dma_wait3A_398 : memref<1x!tpu.dma_semaphore, #tpu.memory_space<semaphore_mem>> -> memref<!tpu.dma_semaphore, #tpu.memory_space<semaphore_mem>>
    %dma_wait3A_400 = arith.constant 0 : i32
    %dma_wait3A_401 = tpu.memref_slice %arg6[%add3A_366, %dma_wait3A_400] : memref<16384x128xf32, #tpu.memory_space<hbm>> -> memref<128x128xf32, #tpu.memory_space<hbm>>
    %dma_wait3A_402 = arith.constant 0 : i32
    %dma_wait3A_403 = arith.constant 0 : i32
    %dma_wait3A_404 = tpu.memref_slice %arg10[%dma_wait3A_390, %dma_wait3A_402, %dma_wait3A_403] : memref<2x128x128xf32, #tpu.memory_space<vmem>> -> memref<1x128x128xf32, #tpu.memory_space<vmem>>
    %dma_wait3A_405 = tpu.memref_squeeze %dma_wait3A_404 : memref<1x128x128xf32, #tpu.memory_space<vmem>> -> memref<128x128xf32, #tpu.memory_space<vmem>>
    tpu.wait_dma2 semaphore(%dma_wait3A_399 : memref<!tpu.dma_semaphore, #tpu.memory_space<semaphore_mem>>) src(%dma_wait3A_405 : memref<128x128xf32, #tpu.memory_space<vmem>>) dst(%dma_wait3A_401 : memref<128x128xf32, #tpu.memory_space<hbm>>)
    return
  }
}

module attributes {stable_mosaic.version = 14 : i64} {
  func.func @mlp(%arg0: i32, %arg1: memref<8192x128xf32, #tpu.memory_space<vmem>>, %arg2: memref<128x128xf32, #tpu.memory_space<vmem>>, %arg3: memref<1x128xf32, #tpu.memory_space<vmem>>, %arg4: memref<128x128xf32, #tpu.memory_space<vmem>>, %arg5: memref<1x128xf32, #tpu.memory_space<vmem>>, %arg6: memref<8192x128xf32, #tpu.memory_space<vmem>>) attributes {dimension_semantics = [#tpu.dimension_semantics<arbitrary>], iteration_bounds = array<i64: 2>, scalar_prefetch = 0 : i64, scratch_operands = 0 : i64, tpu.core_type = #tpu.core_type<tc>, window_params = [{transform_indices = @transform_0, window_bounds = array<i64: 8192, 128>}, {pipeline_mode = #tpu.pipeline_mode<synchronous>, transform_indices = @transform_1, window_bounds = array<i64: 128, 128>}, {pipeline_mode = #tpu.pipeline_mode<synchronous>, transform_indices = @transform_2, window_bounds = array<i64: 1, 128>}, {pipeline_mode = #tpu.pipeline_mode<synchronous>, transform_indices = @transform_3, window_bounds = array<i64: 128, 128>}, {pipeline_mode = #tpu.pipeline_mode<synchronous>, transform_indices = @transform_4, window_bounds = array<i64: 1, 128>}, {transform_indices = @transform_5, window_bounds = array<i64: 8192, 128>}]} {
    %get3A = arith.constant 0 : index
    %get3A_0 = arith.constant 0 : index
    %get3A_1 = vector.load %arg1[%get3A, %get3A_0] : memref<8192x128xf32, #tpu.memory_space<vmem>>, vector<8192x128xf32>
    %get3A_2 = arith.constant 0 : index
    %get3A_3 = arith.constant 0 : index
    %get3A_4 = vector.load %arg2[%get3A_2, %get3A_3] : memref<128x128xf32, #tpu.memory_space<vmem>>, vector<128x128xf32>
    %dot_general3A = arith.constant dense<0.000000e+00> : vector<8192x128xf32>
    %dot_general3A_5 = tpu.matmul %get3A_1, %get3A_4, %dot_general3A {dimension_numbers = #tpu.dot_dimension_numbers<[1], [0], [0], [1], [0, 0, 1, 1], [], []>, transpose_lhs_hint = false} : vector<8192x128xf32>, vector<128x128xf32>, vector<8192x128xf32> -> vector<8192x128xf32>
    %get3A_6 = arith.constant 0 : index
    %get3A_7 = arith.constant 0 : index
    %get3A_8 = vector.load %arg3[%get3A_6, %get3A_7] : memref<1x128xf32, #tpu.memory_space<vmem>>, vector<1x128xf32>
    %add3A = vector.broadcast %get3A_8 : vector<1x128xf32> to vector<8192x128xf32>
    %add3A_9 = arith.addf %dot_general3A_5, %add3A : vector<8192x128xf32>
    %logistic3A = arith.negf %add3A_9 : vector<8192x128xf32>
    %logistic3A_10 = math.exp %logistic3A : vector<8192x128xf32>
    %logistic3A_11 = arith.constant 1.000000e+00 : f32
    %logistic3A_12 = vector.broadcast %logistic3A_11 : f32 to vector<8192x128xf32>
    %logistic3A_13 = arith.addf %logistic3A_12, %logistic3A_10 : vector<8192x128xf32>
    %logistic3A_14 = arith.divf %logistic3A_12, %logistic3A_13 : vector<8192x128xf32>
    %mul3A = arith.mulf %add3A_9, %logistic3A_14 : vector<8192x128xf32>
    %get3A_15 = arith.constant 0 : index
    %get3A_16 = arith.constant 0 : index
    %get3A_17 = vector.load %arg4[%get3A_15, %get3A_16] : memref<128x128xf32, #tpu.memory_space<vmem>>, vector<128x128xf32>
    %dot_general3A_18 = arith.constant dense<0.000000e+00> : vector<8192x128xf32>
    %dot_general3A_19 = tpu.matmul %mul3A, %get3A_17, %dot_general3A_18 {dimension_numbers = #tpu.dot_dimension_numbers<[1], [0], [0], [1], [0, 0, 1, 1], [], []>, transpose_lhs_hint = false} : vector<8192x128xf32>, vector<128x128xf32>, vector<8192x128xf32> -> vector<8192x128xf32>
    %get3A_20 = arith.constant 0 : index
    %get3A_21 = arith.constant 0 : index
    %get3A_22 = vector.load %arg5[%get3A_20, %get3A_21] : memref<1x128xf32, #tpu.memory_space<vmem>>, vector<1x128xf32>
    %add3A_23 = vector.broadcast %get3A_22 : vector<1x128xf32> to vector<8192x128xf32>
    %add3A_24 = arith.addf %dot_general3A_19, %add3A_23 : vector<8192x128xf32>
    %swap3A = arith.constant 0 : index
    %swap3A_25 = arith.constant 0 : index
    %swap3A_26 = vector.load %arg6[%swap3A, %swap3A_25] : memref<8192x128xf32, #tpu.memory_space<vmem>>, vector<8192x128xf32>
    tpu.vector_store %arg6[%swap3A, %swap3A_25], %add3A_24 {strides = array<i32>} : memref<8192x128xf32, #tpu.memory_space<vmem>>, vector<8192x128xf32>,
    return
  }
  func.func @transform_0(%arg0: i32) -> (i32, i32) {
    %c0_i32 = arith.constant 0 : i32
    %c0_i32_0 = arith.constant 0 : i32
    return %arg0, %c0_i32 : i32, i32
  }
  func.func @transform_1(%arg0: i32) -> (i32, i32) {
    %c0_i32 = arith.constant 0 : i32
    %c0_i32_0 = arith.constant 0 : i32
    %c0_i32_1 = arith.constant 0 : i32
    return %c0_i32, %c0_i32_0 : i32, i32
  }
  func.func @transform_2(%arg0: i32) -> (i32, i32) {
    %c0_i32 = arith.constant 0 : i32
    %c0_i32_0 = arith.constant 0 : i32
    %c0_i32_1 = arith.constant 0 : i32
    return %c0_i32, %c0_i32_0 : i32, i32
  }
  func.func @transform_3(%arg0: i32) -> (i32, i32) {
    %c0_i32 = arith.constant 0 : i32
    %c0_i32_0 = arith.constant 0 : i32
    %c0_i32_1 = arith.constant 0 : i32
    return %c0_i32, %c0_i32_0 : i32, i32
  }
  func.func @transform_4(%arg0: i32) -> (i32, i32) {
    %c0_i32 = arith.constant 0 : i32
    %c0_i32_0 = arith.constant 0 : i32
    %c0_i32_1 = arith.constant 0 : i32
    return %c0_i32, %c0_i32_0 : i32, i32
  }
  func.func @transform_5(%arg0: i32) -> (i32, i32) {
    %c0_i32 = arith.constant 0 : i32
    %c0_i32_0 = arith.constant 0 : i32
    return %arg0, %c0_i32 : i32, i32
  }
}

</mosaic_0001>

<sc_bundles>
// kernel: kernel.4.cloned.1.call-start
scs
__scs_entry_jumppad:
0x0: {  	(pc) =	sbr.rel $0x88, $3  }
0x1: {  	(tag) =	ssettag $0x0;
	lr =	simm.s32 $0x1  }
0x2: {  	[smem:$0x3F9A] =	sst lr;
	_ =	strace $0xD0000000  }
0x3: {  	_ = 	snop  }
0x4: {  	_ = 	snop  }
0x5: {  	_ = 	snop  }
0x6: {  	_ = 	snop  }
0x7: {  	_ = 	snop  }
__scs_overlays_trampoline_lowered:
0x8: {  	[smem:$0x3FA9] =	sst s0  }
0x9: {  	[smem:$0x3FAA] =	sst s1  }
0xa: {  	[smem:$0x3FAB] =	sst s2  }
0xb: {  	[smem:$0x3FAC] =	sst s3  }
0xc: {  	[smem:$0x3FAD] =	sst s4  }
0xd: {  	[smem:$0x3FAE] =	sst s5  }
0xe: {  	[smem:$0x3FAF] =	sst s6  }
0xf: {  	[smem:$0x3FB0] =	sst s7  }
0x10: {  	[smem:$0x3FB1] =	sst s8  }
0x11: {  	[smem:$0x3FB2] =	sst s9;
	s0 =	simm.s32 @!p0 $0x0  }
0x12: {  	s1 =	sld [smem:$0x3F98];
	s0 =	simm.s32 @p0 $0x1  }
0x13: {  	[smem:$0x3FB3] =	sst s0;
	s0 =	simm.s32 @!p1 $0x0  }
0x14: {  	s2 =	sld [smem:$0x3F97];
	s0 =	simm.s32 @p1 $0x1  }
0x15: {  	[smem:$0x3FB4] =	sst s0;
	s0 =	simm.s32 @!p2 $0x0  }
0x16: {  	s3 =	sld [smem:$0x3FDB];
	s0 =	simm.s32 @p2 $0x1  }
0x17: {  	s4 =	simm.s32 $0x1BF5;
	[smem:$0x3FB6] =	sst s0  }
0x18: {  	s0 =	sld [smem:$0x3F99];
	_ =	swait.ge [sflag:s4], $0x0  }
0x19: {  	s7 =	sld [smem:$0x3F9A]  }
0x1a: {  	s8 =	sadd.s32 $0xFFFFE003, lr  }
0x1b: {  	s9 =	sadd.s32 $0xFFFFFEF7, lr;
	s5 =	simm.s32 $0xFFFFFFFF;
	p2 =	slt.u32 s8, $0xFFFFF086  }
0x1c: {  	p1 =	slt.u32 s9, $0xF7A;
	s5 =	simm.s32 @!p2 $0x0  }
0x1d: {  	s5 =	simm.s32 @p1 $0x1;
	p0 =	seq.s32 s7, s2  }
0x1e: {  	s7 =	smul.u32 @!p0 $0xF7A, s2;
	p2 =	seq.s32 @!p0 s5, $0x0  }
0x1f: {  	s9 =	smul.u32 $0xF7A, s1;
	s8 =	simm.s32 @!p0 $0x1BF5;
	p2 =	por !p2, p0  }
0x20: {  	[sflag:s8] =	ssyncset.s32 @!p0 $0xFFFFF086;
	s6 =	sadd.s32 @!p0 s3, s7;
	s7 =	simm.s32 @!p0 $0x108  }
0x21: {  	s3 =	sadd.s32 s3, s9;
	s6 =	sadd.s32 @!p0 $0x88, s6;
	s7 =	simm.s32 @p2 $0x1082  }
0x22: {  	[simem:s7], [sflag:s8] =	dma.local @!p0 [hbm:s6], $0xF7A  }
0x23: {  	s9 =	sor.u32 $0xD0000000, s2;
	s6 =	simm.s32 $0x108;
	_ =	swait.ge @!p0 [sflag:s8], $0x0  }
0x24: {  	s3 =	sadd.s32 $0x88, s3;
	s6 =	simm.s32 @!p1 $0x1082;
	[sflag:s4] =	ssyncset.s32 $0xFFFFF086  }
0x25: {  	[simem:s6], [sflag:s4] =	dma.local [hbm:s3], $0xF7A  }
0x26: {  	[smem:$0x3F9A] =	sst s1;
	(tag) =	ssettag s2;
	_ =	strace s9  }
0x27: {  	s1 =	sld [smem:$0x3FAA]  }
0x28: {  	s2 =	sld [smem:$0x3FAB]  }
0x29: {  	s4 =	sld [smem:$0x3FAD]  }
0x2a: {  	p0 =	seq.s32 s5, $0x0;
	s5 =	sld [smem:$0x3FAE]  }
0x2b: {  	s6 =	sld [smem:$0x3FAF]  }
0x2c: {  	s7 =	sld [smem:$0x3FB0]  }
0x2d: {  	s3 =	simm.s32 $0x108;
	s8 =	sld [smem:$0x3FB1]  }
0x2e: {  	s3 =	simm.s32 @!p0 $0x1082;
	s9 =	sld [smem:$0x3FB2]  }
0x2f: {  	lr =	sadd.s32 s0, s3;
	s0 =	sld [smem:$0x3FA9]  }
0x30: {  	s3 =	sld [smem:$0x3FAC]  }
0x31: {  	[smem:$0x3FB5] =	sst s10  }
0x32: {  	s10 =	sld [smem:$0x3FB3];
	_ =	sdelay $0x3  }
0x33: {  	p0 =	seq.s32 s10, $0x1;
	s10 =	sld [smem:$0x3FB5];
	_ =	sdelay $0x3  }
0x34: {  	[smem:$0x3FB5] =	sst s10  }
0x35: {  	s10 =	sld [smem:$0x3FB4];
	_ =	sdelay $0x3  }
0x36: {  	p1 =	seq.s32 s10, $0x1;
	s10 =	sld [smem:$0x3FB5];
	_ =	sdelay $0x3  }
0x37: {  	[smem:$0x3FB5] =	sst s10  }
0x38: {  	s10 =	sld [smem:$0x3FB6]  }
0x39: {  	_ = 	snop;
	(pc) =	sbr.ind lr, $3  }
0x3a: {  	_ = 	snop  }
0x3b: {  	_ = 	snop  }
0x3c: {  	p2 =	seq.s32 s10, $0x1;
	s10 =	sld [smem:$0x3FB5]  }
0x3d: {  	_ =	shalt  }
0x3e: {  	_ =	shalt  }
0x3f: {  	_ =	shalt  }
0x40: {  	_ =	shalt  }
0x41: {  	_ =	shalt  }
0x42: {  	_ =	shalt  }
0x43: {  	_ =	shalt  }
0x44: {  	_ =	shalt  }
0x45: {  	_ =	shalt  }
0x46: {  	_ =	shalt  }
0x47: {  	_ =	shalt  }
0x48: {  	_ =	shalt  }
0x49: {  	_ =	shalt  }
0x4a: {  	_ =	shalt  }
0x4b: {  	_ =	shalt  }
0x4c: {  	_ =	shalt  }
0x4d: {  	_ =	shalt  }
0x4e: {  	_ =	shalt  }
0x4f: {  	_ =	shalt  }
0x50: {  	_ =	shalt  }
0x51: {  	_ =	shalt  }
0x52: {  	_ =	shalt  }
0x53: {  	_ =	shalt  }
0x54: {  	_ =	shalt  }
0x55: {  	_ =	shalt  }
0x56: {  	_ =	shalt  }
0x57: {  	_ =	shalt  }
0x58: {  	_ =	shalt  }
0x59: {  	_ =	shalt  }
0x5a: {  	_ =	shalt  }
0x5b: {  	_ =	shalt  }
0x5c: {  	_ =	shalt  }
0x5d: {  	_ =	shalt  }
0x5e: {  	_ =	shalt  }
0x5f: {  	_ =	shalt  }
0x60: {  	_ =	shalt  }
0x61: {  	_ =	shalt  }
0x62: {  	_ =	shalt  }
0x63: {  	_ =	shalt  }
0x64: {  	_ =	shalt  }
0x65: {  	_ =	shalt  }
0x66: {  	_ =	shalt  }
0x67: {  	_ =	shalt  }
0x68: {  	_ =	shalt  }
0x69: {  	_ =	shalt  }
0x6a: {  	_ =	shalt  }
0x6b: {  	_ =	shalt  }
0x6c: {  	_ =	shalt  }
0x6d: {  	_ =	shalt  }
0x6e: {  	_ =	shalt  }
0x6f: {  	_ =	shalt  }
0x70: {  	_ =	shalt  }
0x71: {  	_ =	shalt  }
0x72: {  	_ =	shalt  }
0x73: {  	_ =	shalt  }
0x74: {  	_ =	shalt  }
0x75: {  	_ =	shalt  }
0x76: {  	_ =	shalt  }
0x77: {  	_ =	shalt  }
0x78: {  	_ =	shalt  }
0x79: {  	_ =	shalt  }
0x7a: {  	_ =	shalt  }
0x7b: {  	_ =	shalt  }
0x7c: {  	_ =	shalt  }
0x7d: {  	_ =	shalt  }
0x7e: {  	_ =	shalt  }
0x7f: {  	_ =	shalt  }
0x80: {  	_ =	shalt  }
0x81: {  	_ =	shalt  }
0x82: {  	_ =	shalt  }
0x83: {  	_ =	shalt  }
0x84: {  	_ =	shalt  }
0x85: {  	_ =	shalt  }
0x86: {  	_ =	shalt  }
0x87: {  	_ =	shalt  }
.Lfunc_end0:
.L_simem_size_0:
called_computation_lowered:
.L_overlay_start_0:
0x88: {  	s2 =	sld [smem:$0x3FD9]  }
0x89: {  	s3 =	sld [smem:$0x3FFE];
	_ =	sdelay $0x1  }
0x8a: {  	s1 =	srdreg.scid  }
0x8b: {  	s0 =	sand.u32 $0x1, s1  }
0x8c: {  	s15 =	sshll.u32 s0, $0xA;
	s2 =	sadd.s32 s3, s2  }
0x8d: {  	s2 =	sadd.s32 s2, s15  }
0x8e: {  	[smem:$0x3FC1] =	sst s2  }
0x8f: {  	_ = 	snop  }
0x90: {  	s2 =	sld [smem:$0x3FD0]  }
0x91: {  	s16 =	sld [smem:$0x3FC9]  }
0x92: {  	s4 =	sld [smem:$0x3FC8]  }
0x93: {  	s6 =	simm.s32 $0xA;
	s7 =	simm.s32 $0x10;
	s5 =	sld [smem:$0x3FC7]  }
0x94: {  	[smem:s7], [sflag:s6] =	dma.local [hbm:s2], $0x1  }
0x95: {  	_ =	swait.eq [sflag:s6], $0x1  }
0x96: {  	[sflag:s6] =	ssyncset.done $0x0  }
0x97: {  	[sflag:s6] =	ssyncadd.s32 $0xFFFFFFFF  }
0x98: {  	s17 =	sld [smem:$0x11];
	(tm) =	ssettm $0x1  }
0x99: {  	s18 =	sld [smem:$0x3FFB];
	_ =	sdelay $0x3  }
0x9a: {  	_ =	strace s18  }
0x9b: {  	s6 =	sld [smem:$0x3FFC];
	_ =	sdelay $0x3  }
0x9c: {  	_ =	strace s6  }
0x9d: {  	s6 =	sld [smem:$0x3FFD];
	_ =	sdelay $0x3  }
0x9e: {  	_ =	strace s6  }
0x9f: {  	_ =	strace $0x8FFFFFFF  }
0xa0: {  	s19 =	sld [smem:$0x3FDB];
	_ =	sdelay $0x1  }
0xa1: {  	s20 =	simm.s32 $_scs_section_size  }
0xa2: {  	s8 =	simm.s32 $_size__tile_overlayer_lowered;
	s9 =	simm.s32 $_tile_overlayer_lowered  }
0xa3: {  	s23 =	simm.s32 $0x1BFF;
	s22 =	sshll.u32 s9, $0x1;
	s6 =	sadd.s32 s20, s19  }
0xa4: {  	s10 =	simm.s32 $0x0;
	s21 =	sshll.u32 s8, $0x1;
	s8 =	sadd.s32 s22, s6  }
0xa5: {  	[timem:s10], [sflag:s23] =	dma.local [hbm:s8], s21  }
0xa6: {  	_ =	swait.ge [sflag:s23], s21  }
0xa7: {  	s7 =	ssub.s32 $0x0, s21;
	[sflag:s23] =	ssyncset.done $0x0  }
0xa8: {  	[sflag:s23] =	ssyncadd.s32 s7;
	_ =	sdelay $0x1  }
0xa9: {  	s24 =	simm.s32 $0x1B8B  }
0xaa: {  	_ =	swait.ge [sflag:s24], $0x1  }
0xab: {  	[sflag:s24] =	ssyncset.done $0x0  }
0xac: {  	s25 =	simm.s32 $0x1B8E;
	[sflag:s24] =	ssyncadd.s32 $0xFFFFFFFF  }
0xad: {  	s26 =	simm.s32 $execute0_lowered;
	[smem:$0x3FD2] =	sst s25  }
0xae: {  	s7 =	sshll.u32 s26, $0x1;
	_ =	strace $0x80000046;
	[dreg:$0x1] =	wrdreg $0xFFFFFFFF  }
0xaf: {  	s28 =	simm.s32 $_size_execute0_lowered;
	s6 =	sadd.s32 s6, s7;
	[dreg:$0x0] =	wrdreg $0x0  }
0xb0: {  	s7 =	sshll.u32 s28, $0x1;
	[dreg:$0x2] =	wrdreg s6  }
0xb1: {  	[dreg:$0x3] =	wrdreg s7  }
0xb2: {  	[dreg:$0x4] =	wrdreg $0xC0  }
0xb3: {  	_ =	task [dreg:s10], $0x5FFFF  }
0xb4: {  	[dreg:$0x1] =	wrdreg $0xFFFFFFFF  }
0xb5: {  	[dreg:$0x0] =	wrdreg $0x60  }
0xb6: {  	[dreg:$0x2] =	wrdreg s16  }
0xb7: {  	[dreg:$0x3] =	wrdreg s4  }
0xb8: {  	[dreg:$0x4] =	wrdreg s5  }
0xb9: {  	[dreg:$0x5] =	wrdreg s17  }
0xba: {  	[dreg:$0x6] =	wrdreg $0x9  }
0xbb: {  	_ =	task.clear_ibuf [dreg:s10], $0x7FFFF;
	_ =	strace $0x90000046  }
0xbc: {  	s29 =	simm.s32 $0x9;
	_ =	strace $0x80000048  }
0xbd: {  	_ =	swait.ge [sflag:s29], $0x1  }
0xbe: {  	[sflag:s29] =	ssyncadd.s32 $0xFFFFFFFF  }
0xbf: {  	_ =	strace $0x90000048  }
0xc0: {  	_ =	sfence  }
0xc1: {  	s30 =	sld [smem:$0x0];
	_ =	sdelay $0x2  }
0xc2: {  	s31 =	sshll.u32 s1, $0xD;
	s1 =	sshrl.u32 s1, $0x2  }
0xc3: {  	s3 =	sand.u32 $0x4000, s31;
	s1 =	sadd.s32 s1, s30  }
0xc4: {  	s0 =	sor.u32 s3, s0;
	s1 =	sshll.u32 s1, $0x11  }
0xc5: {  	s0 =	sor.u32 s1, s0  }
0xc6: {  	s0 =	sadd.s32 $0x8F2B, s0  }
0xc7: {  	[sflag:s0] =	ssyncadd.remote.s32 $0x1  }
0xc8: {  	_ =	sfence.sel $0xFFFF  }
0xc9: {  	[dreg:$0x0] =	wrdreg $0xFFFFFFFF;
	(pc) =	sbr.abs _section_cstart, $3  }
0xca: {  	[dreg:$0x1] =	wrdreg $0xFFFFFFFF  }
0xcb: {  	_ =	task.clear_ibuf [dreg:s10], $0x2FFFF;
	_ =	strace $0x9FFFFFFF  }
0xcc: {  	(tm) =	ssettm $0x7FFFFFFF  }
0xcd: {  	_ =	shalt  }
tec
execute0_lowered:
.L_overlay_start_1:
0x0: {  	(tag) =	ssettag $0x1  }
0x1: {  	s5 =	rddreg [dreg:$0x0]  }
0x2: {  	s1 =	rddreg [dreg:$0x1]  }
0x3: {  	s2 =	rddreg [dreg:$0x2]  }
0x4: {  	s6 =	rddreg [dreg:$0x3]  }
0x5: {  	s4 =	srdreg.scid;
	s0 =	rddreg [dreg:$0x4];
	s3 =	simm.s32 $0x0  }
0x6: {  	s13 =	simm.s32 $0x200;
	s14 =	simm.s32 $0x8200;
	s15 =	simm.s32 $0x4200  }
0x7: {  	s16 =	simm.s32 $0xC200;
	s17 =	simm.s32 $0x1;
	s18 =	simm.s32 $0x3  }
0x8: {  	s19 =	simm.s32 $0x10200;
	s20 =	simm.s32 $0x5;
	s21 =	simm.s32 $0x100  }
0x9: {  	s22 =	simm.s32 $0x2;
	s23 =	simm.s32 $0x4;
	s24 =	simm.s32 $0x14200  }
0xa: {  	s25 =	simm.s32 $0x6;
	s26 =	simm.s32 $0x180;
	s28 =	simm.s32 $0x0  }
0xb: {  	s7 =	sand.u32 $0x1, s4;
	[smem:$0x7FF] =	sst s3;
	s4 =	stileid.u32  }
0xc: {  	s8 =	ssub.s32 $0x2, s7;
	_ =	strace $0x80000047;
	s10 =	sshll.u32 s7, $0x6  }
0xd: {  	s11 =	sshll.u32 s4, $0xE;
	s7 =	sshll.u32 s7, $0xD;
	s12 =	sshll.u32 s4, $0x7  }
0xe: {  	s9 =	sshrl.u32 s8, $0x1;
	s5 =	sadd.s32 s5, s10;
	s7 =	sor.u32 s7, s11  }
0xf: {  	s11 =	simm.s32 $0x7;
	s31 =	ssub.s32 s8, s9;
	s6 =	sadd.s32 s6, s7  }
0x10: {  	s5 =	sadd.s32 s12, s5;
	s12 =	simm.s32 $0x80;
	s7 =	sadd.s32 $0x800, s6  }
0x11: {  	s8 =	sadd.s32 $0x1000, s6;
	s9 =	sadd.s32 $0x1800, s6;
	s10 =	smax.u32 s31, $0x1  }
.LBB2_1:
0x12: {  	[tilespmem:s3], [sflag:$0x7] =	stream.linear.gather [hbm4b:s5+s3], $0x200, $0x38;
	[tilespmem:$0x18200] =	vst v63  }
0x13: {  	_ =	swait.ge [sflag:s11], $0x200  }
0x14: {  	[sflag:s11] =	ssyncset.done $0x0  }
0x15: {  	[sflag:s11] =	ssyncadd.s32 $0xFFFFFE00  }
0x16: {  	[tilespmem:s13], [sflag:$0x1] =	stream.indirect.gather [hbm4b:s1+s12], $0x80, s3, s12, $0xb8;
	[tilespmem:$0x18200] =	vst v63  }
0x17: {  	_ = 	snop  }
0x18: {  	[tilespmem:s14], [sflag:$0x3] =	stream.indirect.gather [hbm4b:s2+s12], $0x80, s3, s12, $0xb8;
	[tilespmem:$0x18200] =	vst v63  }
0x19: {  	_ = 	snop  }
0x1a: {  	[tilespmem:s15], [sflag:$0x2] =	stream.indirect.gather [hbm4b:s1+s12], $0x80, s12, s12, $0xb8;
	[tilespmem:$0x18200] =	vst v63  }
0x1b: {  	_ = 	snop  }
0x1c: {  	[tilespmem:s16], [sflag:$0x4] =	stream.indirect.gather [hbm4b:s2+s12], $0x80, s12, s12, $0xb8;
	[tilespmem:$0x18200] =	vst v63  }
0x1d: {  	_ =	swait.ge [sflag:s17], $0x4000  }
0x1e: {  	[sflag:s17] =	ssyncset.done $0x0  }
0x1f: {  	[sflag:s17] =	ssyncadd.s32 $0xFFFFC000  }
0x20: {  	_ =	swait.ge [sflag:s18], $0x4000  }
0x21: {  	[sflag:s18] =	ssyncset.done $0x0  }
0x22: {  	s29 =	simm.s32 $0x0;
	[sflag:s18] =	ssyncadd.s32 $0xFFFFC000  }
0x23: {  	v0 =	vld [tilespmem:s29+$0x270]  }
0x24: {  	v1 =	vld [tilespmem:s29+$0x8270]  }
0x25: {  	v2 =	vld [tilespmem:s29+$0x200]  }
0x26: {  	v3 =	vld [tilespmem:s29+$0x8200]  }
0x27: {  	v4 =	vld [tilespmem:s29+$0x210]  }
0x28: {  	v5 =	vld [tilespmem:s29+$0x8210]  }
0x29: {  	v6 =	vld [tilespmem:s29+$0x220]  }
0x2a: {  	v7 =	vld [tilespmem:s29+$0x230]  }
0x2b: {  	v0 =	vadd.f32 v1, v0;
	v1 =	vld [tilespmem:s29+$0x8220]  }
0x2c: {  	v8 =	vld [tilespmem:s29+$0x8230]  }
0x2d: {  	v9 =	vld [tilespmem:s29+$0x8240];
	v2 =	vadd.f32 v3, v2  }
0x2e: {  	[tilespmem:s29+$0x10270] =	vst v0;
	v0 =	vadd.f32 v5, v4;
	v5 =	vld [tilespmem:s29+$0x240]  }
0x2f: {  	v3 =	vld [tilespmem:s29+$0x8250];
	[tilespmem:s29+$0x10200] =	vst v2  }
0x30: {  	v2 =	vld [tilespmem:s29+$0x250];
	[tilespmem:s29+$0x10210] =	vst v0;
	v0 =	vadd.f32 v1, v6  }
0x31: {  	v4 =	vld [tilespmem:s29+$0x8260];
	v6 =	vadd.f32 v8, v7  }
0x32: {  	s30 =	simm.s32 $0x80;
	[tilespmem:s29+$0x10220] =	vst v0;
	v0 =	vld [tilespmem:s29+$0x260]  }
0x33: {  	s31 =	simm.s32 $0x400;
	v5 =	vadd.f32 v9, v5;
	v1 =	vld [tilespmem:s30+$0x270];
	[tilespmem:s29+$0x10230] =	vst v6  }
.LBB2_2:
0x34: {  	p0 =	sne.s32 s31, $0xFE00;
	v6 =	vld [tilespmem:s30+$0x8270]  }
0x35: {  	v7 =	vld [tilespmem:s30+$0x200];
	[tilespmem:s29+$0x10240] =	vst v5;
	v2 =	vadd.f32 v3, v2  }
0x36: {  	v3 =	vld [tilespmem:s30+$0x8200]  }
0x37: {  	v5 =	vld [tilespmem:s30+$0x210];
	[tilespmem:s29+$0x10250] =	vst v2;
	v0 =	vadd.f32 v4, v0  }
0x38: {  	v2 =	vld [tilespmem:s30+$0x8210]  }
0x39: {  	v4 =	vld [tilespmem:s30+$0x220];
	v1 =	vadd.f32 v6, v1;
	[tilespmem:s29+$0x10260] =	vst v0;
	s29 =	smov.u32 s30  }
0x3a: {  	v0 =	vld [tilespmem:s29+$0x8220]  }
0x3b: {  	v3 =	vadd.f32 v3, v7;
	v6 =	vld [tilespmem:s29+$0x230];
	[tilespmem:s29+$0x10270] =	vst v1  }
0x3c: {  	v1 =	vld [tilespmem:s29+$0x8230]  }
0x3d: {  	[tilespmem:s29+$0x10200] =	vst v3;
	v2 =	vadd.f32 v2, v5;
	v5 =	vld [tilespmem:s29+$0x240]  }
0x3e: {  	v7 =	vld [tilespmem:s29+$0x8240]  }
.Ltmp0:
0x3f: {  	[tilespmem:s29+$0x10210] =	vst v2;
	v0 =	vadd.f32 v0, v4;
	v2 =	vld [tilespmem:s29+$0x250];
	(pc) =	sbr.rel @p0 .LBB2_2-.Ltmp0, $4  }
0x40: {  	v3 =	vld [tilespmem:s29+$0x8250]  }
0x41: {  	[tilespmem:s29+$0x10220] =	vst v0;
	v6 =	vadd.f32 v1, v6;
	v0 =	vld [tilespmem:s29+$0x260]  }
0x42: {  	s30 =	sshra.s32 s31, $0x2;
	v4 =	vld [tilespmem:s29+$0x8260]  }
0x43: {  	s31 =	sadd.s32 $0x200, s31;
	v1 =	vld [tilespmem:s30+$0x270];
	[tilespmem:s29+$0x10230] =	vst v6;
	v5 =	vadd.f32 v7, v5  }
0x44: {  	v6 =	vld [tilespmem:s30+$0x8270]  }
0x45: {  	v7 =	vld [tilespmem:s30+$0x200];
	[tilespmem:s29+$0x10240] =	vst v5;
	v2 =	vadd.f32 v3, v2  }
0x46: {  	v3 =	vld [tilespmem:s30+$0x8200]  }
0x47: {  	v5 =	vld [tilespmem:s30+$0x210];
	[tilespmem:s29+$0x10250] =	vst v2;
	v0 =	vadd.f32 v4, v0  }
0x48: {  	v2 =	vld [tilespmem:s30+$0x8210]  }
0x49: {  	v4 =	vld [tilespmem:s30+$0x220];
	[tilespmem:s29+$0x10260] =	vst v0  }
0x4a: {  	v0 =	vadd.f32 v6, v1;
	v1 =	vld [tilespmem:s30+$0x8220]  }
0x4b: {  	v6 =	vld [tilespmem:s30+$0x230]  }
0x4c: {  	v3 =	vadd.f32 v3, v7;
	[tilespmem:s30+$0x10270] =	vst v0;
	v0 =	vld [tilespmem:s30+$0x8230]  }
0x4d: {  	v7 =	vld [tilespmem:s30+$0x8260]  }
0x4e: {  	[tilespmem:s30+$0x10200] =	vst v3;
	v2 =	vadd.f32 v2, v5;
	v3 =	vld [tilespmem:s30+$0x240]  }
0x4f: {  	v5 =	vld [tilespmem:s30+$0x8240]  }
0x50: {  	[tilespmem:s30+$0x10210] =	vst v2;
	v1 =	vadd.f32 v1, v4;
	v2 =	vld [tilespmem:s30+$0x250]  }
0x51: {  	v4 =	vld [tilespmem:s30+$0x8250]  }
0x52: {  	[tilespmem:s30+$0x10220] =	vst v1;
	v1 =	vld [tilespmem:s30+$0x260];
	_ =	sdelay $0x1  }
0x53: {  	v0 =	vadd.f32 v0, v6  }
0x54: {  	v3 =	vadd.f32 v5, v3  }
0x55: {  	[tilespmem:s30+$0x10230] =	vst v0;
	v0 =	vadd.f32 v4, v2  }
0x56: {  	[tilespmem:s30+$0x10240] =	vst v3;
	v1 =	vadd.f32 v7, v1  }
0x57: {  	[tilespmem:s30+$0x10250] =	vst v0  }
0x58: {  	s29 =	simm.s32 $0x0;
	[tilespmem:s30+$0x10260] =	vst v1  }
0x59: {  	[hbm4b:s6+s29] =	stream.linear.scatter [tilespmem:s19], [sflag:$0x5], $0x4000, $0x38;
	[tilespmem:$0x18200] =	vst v63  }
0x5a: {  	_ =	swait.ge [sflag:s20], $0x4000  }
0x5b: {  	[sflag:s20] =	ssyncset.done $0x0  }
0x5c: {  	[sflag:s20] =	ssyncadd.s32 $0xFFFFC000  }
0x5d: {  	[tilespmem:s13], [sflag:$0x1] =	stream.indirect.gather [hbm4b:s1+s12], $0x80, s21, s12, $0xb8;
	[tilespmem:$0x18200] =	vst v63  }
0x5e: {  	_ = 	snop  }
0x5f: {  	[tilespmem:s14], [sflag:$0x3] =	stream.indirect.gather [hbm4b:s2+s12], $0x80, s21, s12, $0xb8;
	[tilespmem:$0x18200] =	vst v63  }
0x60: {  	_ =	swait.ge [sflag:s22], $0x4000  }
0x61: {  	[sflag:s22] =	ssyncset.done $0x0  }
0x62: {  	[sflag:s22] =	ssyncadd.s32 $0xFFFFC000  }
0x63: {  	_ =	swait.ge [sflag:s23], $0x4000  }
0x64: {  	[sflag:s23] =	ssyncset.done $0x0  }
0x65: {  	s29 =	simm.s32 $0x0;
	[sflag:s23] =	ssyncadd.s32 $0xFFFFC000  }
0x66: {  	v0 =	vld [tilespmem:s29+$0x4270]  }
0x67: {  	v1 =	vld [tilespmem:s29+$0xC270]  }
0x68: {  	v2 =	vld [tilespmem:s29+$0x4200]  }
0x69: {  	v3 =	vld [tilespmem:s29+$0xC200]  }
0x6a: {  	v4 =	vld [tilespmem:s29+$0x4210]  }
0x6b: {  	v5 =	vld [tilespmem:s29+$0xC210]  }
0x6c: {  	v6 =	vld [tilespmem:s29+$0x4220]  }
0x6d: {  	v7 =	vld [tilespmem:s29+$0x4230]  }
0x6e: {  	v0 =	vadd.f32 v1, v0;
	v1 =	vld [tilespmem:s29+$0xC220]  }
0x6f: {  	v8 =	vld [tilespmem:s29+$0xC230]  }
0x70: {  	v9 =	vld [tilespmem:s29+$0xC240];
	v2 =	vadd.f32 v3, v2  }
0x71: {  	[tilespmem:s29+$0x14270] =	vst v0;
	v0 =	vadd.f32 v5, v4;
	v5 =	vld [tilespmem:s29+$0x4240]  }
0x72: {  	v3 =	vld [tilespmem:s29+$0xC250];
	[tilespmem:s29+$0x14200] =	vst v2  }
0x73: {  	v2 =	vld [tilespmem:s29+$0x4250];
	[tilespmem:s29+$0x14210] =	vst v0;
	v0 =	vadd.f32 v1, v6  }
0x74: {  	v4 =	vld [tilespmem:s29+$0xC260];
	v6 =	vadd.f32 v8, v7  }
0x75: {  	s30 =	simm.s32 $0x80;
	[tilespmem:s29+$0x14220] =	vst v0;
	v0 =	vld [tilespmem:s29+$0x4260]  }
0x76: {  	s31 =	simm.s32 $0x400;
	v5 =	vadd.f32 v9, v5;
	v1 =	vld [tilespmem:s30+$0x4270];
	[tilespmem:s29+$0x14230] =	vst v6  }
.LBB2_4:
0x77: {  	p0 =	sne.s32 s31, $0xFE00;
	v6 =	vld [tilespmem:s30+$0xC270]  }
0x78: {  	v7 =	vld [tilespmem:s30+$0x4200];
	[tilespmem:s29+$0x14240] =	vst v5;
	v2 =	vadd.f32 v3, v2  }
0x79: {  	v3 =	vld [tilespmem:s30+$0xC200]  }
0x7a: {  	v5 =	vld [tilespmem:s30+$0x4210];
	[tilespmem:s29+$0x14250] =	vst v2;
	v0 =	vadd.f32 v4, v0  }
0x7b: {  	v2 =	vld [tilespmem:s30+$0xC210]  }
0x7c: {  	v4 =	vld [tilespmem:s30+$0x4220];
	v1 =	vadd.f32 v6, v1;
	[tilespmem:s29+$0x14260] =	vst v0;
	s29 =	smov.u32 s30  }
0x7d: {  	v0 =	vld [tilespmem:s29+$0xC220]  }
0x7e: {  	v3 =	vadd.f32 v3, v7;
	v6 =	vld [tilespmem:s29+$0x4230];
	[tilespmem:s29+$0x14270] =	vst v1  }
0x7f: {  	v1 =	vld [tilespmem:s29+$0xC230]  }
0x80: {  	[tilespmem:s29+$0x14200] =	vst v3;
	v2 =	vadd.f32 v2, v5;
	v5 =	vld [tilespmem:s29+$0x4240]  }
0x81: {  	v7 =	vld [tilespmem:s29+$0xC240]  }
.Ltmp1:
0x82: {  	[tilespmem:s29+$0x14210] =	vst v2;
	v0 =	vadd.f32 v0, v4;
	v2 =	vld [tilespmem:s29+$0x4250];
	(pc) =	sbr.rel @p0 .LBB2_4-.Ltmp1, $4  }
0x83: {  	v3 =	vld [tilespmem:s29+$0xC250]  }
0x84: {  	[tilespmem:s29+$0x14220] =	vst v0;
	v6 =	vadd.f32 v1, v6;
	v0 =	vld [tilespmem:s29+$0x4260]  }
0x85: {  	s30 =	sshra.s32 s31, $0x2;
	v4 =	vld [tilespmem:s29+$0xC260]  }
0x86: {  	s31 =	sadd.s32 $0x200, s31;
	v1 =	vld [tilespmem:s30+$0x4270];
	[tilespmem:s29+$0x14230] =	vst v6;
	v5 =	vadd.f32 v7, v5  }
0x87: {  	v6 =	vld [tilespmem:s30+$0xC270]  }
0x88: {  	v7 =	vld [tilespmem:s30+$0x4200];
	[tilespmem:s29+$0x14240] =	vst v5;
	v2 =	vadd.f32 v3, v2  }
0x89: {  	v3 =	vld [tilespmem:s30+$0xC200]  }
0x8a: {  	v5 =	vld [tilespmem:s30+$0x4210];
	[tilespmem:s29+$0x14250] =	vst v2;
	v0 =	vadd.f32 v4, v0  }
0x8b: {  	v2 =	vld [tilespmem:s30+$0xC210]  }
0x8c: {  	v4 =	vld [tilespmem:s30+$0x4220];
	[tilespmem:s29+$0x14260] =	vst v0  }
0x8d: {  	v0 =	vadd.f32 v6, v1;
	v1 =	vld [tilespmem:s30+$0xC220]  }
0x8e: {  	v6 =	vld [tilespmem:s30+$0x4230]  }
0x8f: {  	v3 =	vadd.f32 v3, v7;
	[tilespmem:s30+$0x14270] =	vst v0;
	v0 =	vld [tilespmem:s30+$0xC230]  }
0x90: {  	v7 =	vld [tilespmem:s30+$0xC260]  }
0x91: {  	[tilespmem:s30+$0x14200] =	vst v3;
	v2 =	vadd.f32 v2, v5;
	v3 =	vld [tilespmem:s30+$0x4240]  }
0x92: {  	v5 =	vld [tilespmem:s30+$0xC240]  }
0x93: {  	[tilespmem:s30+$0x14210] =	vst v2;
	v1 =	vadd.f32 v1, v4;
	v2 =	vld [tilespmem:s30+$0x4250]  }
0x94: {  	v4 =	vld [tilespmem:s30+$0xC250]  }
0x95: {  	[tilespmem:s30+$0x14220] =	vst v1;
	v1 =	vld [tilespmem:s30+$0x4260];
	_ =	sdelay $0x1  }
0x96: {  	v0 =	vadd.f32 v0, v6  }
0x97: {  	v3 =	vadd.f32 v5, v3  }
0x98: {  	[tilespmem:s30+$0x14230] =	vst v0;
	v0 =	vadd.f32 v4, v2  }
0x99: {  	[tilespmem:s30+$0x14240] =	vst v3;
	v1 =	vadd.f32 v7, v1  }
0x9a: {  	[tilespmem:s30+$0x14250] =	vst v0  }
0x9b: {  	s29 =	simm.s32 $0x0;
	[tilespmem:s30+$0x14260] =	vst v1  }
0x9c: {  	[hbm4b:s7+s29] =	stream.linear.scatter [tilespmem:s24], [sflag:$0x6], $0x4000, $0x38;
	[tilespmem:$0x18200] =	vst v63  }
0x9d: {  	_ =	swait.ge [sflag:s25], $0x4000  }
0x9e: {  	[sflag:s25] =	ssyncset.done $0x0  }
0x9f: {  	[sflag:s25] =	ssyncadd.s32 $0xFFFFC000  }
0xa0: {  	[tilespmem:s15], [sflag:$0x2] =	stream.indirect.gather [hbm4b:s1+s12], $0x80, s26, s12, $0xb8;
	[tilespmem:$0x18200] =	vst v63  }
0xa1: {  	_ = 	snop  }
0xa2: {  	[tilespmem:s16], [sflag:$0x4] =	stream.indirect.gather [hbm4b:s2+s12], $0x80, s26, s12, $0xb8;
	[tilespmem:$0x18200] =	vst v63  }
0xa3: {  	_ =	swait.ge [sflag:s17], $0x4000  }
0xa4: {  	[sflag:s17] =	ssyncset.done $0x0  }
0xa5: {  	[sflag:s17] =	ssyncadd.s32 $0xFFFFC000  }
0xa6: {  	_ =	swait.ge [sflag:s18], $0x4000  }
0xa7: {  	[sflag:s18] =	ssyncset.done $0x0  }
0xa8: {  	s29 =	simm.s32 $0x0;
	[sflag:s18] =	ssyncadd.s32 $0xFFFFC000  }
0xa9: {  	v0 =	vld [tilespmem:s29+$0x270]  }
0xaa: {  	v1 =	vld [tilespmem:s29+$0x8270]  }
0xab: {  	v2 =	vld [tilespmem:s29+$0x200]  }
0xac: {  	v3 =	vld [tilespmem:s29+$0x8200]  }
0xad: {  	v4 =	vld [tilespmem:s29+$0x210]  }
0xae: {  	v5 =	vld [tilespmem:s29+$0x8210]  }
0xaf: {  	v6 =	vld [tilespmem:s29+$0x220]  }
0xb0: {  	v7 =	vld [tilespmem:s29+$0x230]  }
0xb1: {  	v0 =	vadd.f32 v1, v0;
	v1 =	vld [tilespmem:s29+$0x8220]  }
0xb2: {  	v8 =	vld [tilespmem:s29+$0x8230]  }
0xb3: {  	v9 =	vld [tilespmem:s29+$0x8240];
	v2 =	vadd.f32 v3, v2  }
0xb4: {  	[tilespmem:s29+$0x10270] =	vst v0;
	v0 =	vadd.f32 v5, v4;
	v5 =	vld [tilespmem:s29+$0x240]  }
0xb5: {  	v3 =	vld [tilespmem:s29+$0x8250];
	[tilespmem:s29+$0x10200] =	vst v2  }
0xb6: {  	v2 =	vld [tilespmem:s29+$0x250];
	[tilespmem:s29+$0x10210] =	vst v0;
	v0 =	vadd.f32 v1, v6  }
0xb7: {  	v4 =	vld [tilespmem:s29+$0x8260];
	v6 =	vadd.f32 v8, v7  }
0xb8: {  	s30 =	simm.s32 $0x80;
	[tilespmem:s29+$0x10220] =	vst v0;
	v0 =	vld [tilespmem:s29+$0x260]  }
0xb9: {  	s31 =	simm.s32 $0x400;
	v5 =	vadd.f32 v9, v5;
	v1 =	vld [tilespmem:s30+$0x270];
	[tilespmem:s29+$0x10230] =	vst v6  }
.LBB2_6:
0xba: {  	p0 =	sne.s32 s31, $0xFE00;
	v6 =	vld [tilespmem:s30+$0x8270]  }
0xbb: {  	v7 =	vld [tilespmem:s30+$0x200];
	[tilespmem:s29+$0x10240] =	vst v5;
	v2 =	vadd.f32 v3, v2  }
0xbc: {  	v3 =	vld [tilespmem:s30+$0x8200]  }
0xbd: {  	v5 =	vld [tilespmem:s30+$0x210];
	[tilespmem:s29+$0x10250] =	vst v2;
	v0 =	vadd.f32 v4, v0  }
0xbe: {  	v2 =	vld [tilespmem:s30+$0x8210]  }
0xbf: {  	v4 =	vld [tilespmem:s30+$0x220];
	v1 =	vadd.f32 v6, v1;
	[tilespmem:s29+$0x10260] =	vst v0;
	s29 =	smov.u32 s30  }
0xc0: {  	v0 =	vld [tilespmem:s29+$0x8220]  }
0xc1: {  	v3 =	vadd.f32 v3, v7;
	v6 =	vld [tilespmem:s29+$0x230];
	[tilespmem:s29+$0x10270] =	vst v1  }
0xc2: {  	v1 =	vld [tilespmem:s29+$0x8230]  }
0xc3: {  	[tilespmem:s29+$0x10200] =	vst v3;
	v2 =	vadd.f32 v2, v5;
	v5 =	vld [tilespmem:s29+$0x240]  }
0xc4: {  	v7 =	vld [tilespmem:s29+$0x8240]  }
.Ltmp2:
0xc5: {  	[tilespmem:s29+$0x10210] =	vst v2;
	v0 =	vadd.f32 v0, v4;
	v2 =	vld [tilespmem:s29+$0x250];
	(pc) =	sbr.rel @p0 .LBB2_6-.Ltmp2, $4  }
0xc6: {  	v3 =	vld [tilespmem:s29+$0x8250]  }
0xc7: {  	[tilespmem:s29+$0x10220] =	vst v0;
	v6 =	vadd.f32 v1, v6;
	v0 =	vld [tilespmem:s29+$0x260]  }
0xc8: {  	s30 =	sshra.s32 s31, $0x2;
	v4 =	vld [tilespmem:s29+$0x8260]  }
0xc9: {  	s31 =	sadd.s32 $0x200, s31;
	v1 =	vld [tilespmem:s30+$0x270];
	[tilespmem:s29+$0x10230] =	vst v6;
	v5 =	vadd.f32 v7, v5  }
0xca: {  	v6 =	vld [tilespmem:s30+$0x8270]  }
0xcb: {  	v7 =	vld [tilespmem:s30+$0x200];
	[tilespmem:s29+$0x10240] =	vst v5;
	v2 =	vadd.f32 v3, v2  }
0xcc: {  	v3 =	vld [tilespmem:s30+$0x8200]  }
0xcd: {  	v5 =	vld [tilespmem:s30+$0x210];
	[tilespmem:s29+$0x10250] =	vst v2;
	v0 =	vadd.f32 v4, v0  }
0xce: {  	v2 =	vld [tilespmem:s30+$0x8210]  }
0xcf: {  	v4 =	vld [tilespmem:s30+$0x220];
	[tilespmem:s29+$0x10260] =	vst v0  }
0xd0: {  	v0 =	vadd.f32 v6, v1;
	v1 =	vld [tilespmem:s30+$0x8220]  }
0xd1: {  	v6 =	vld [tilespmem:s30+$0x230]  }
0xd2: {  	v3 =	vadd.f32 v3, v7;
	[tilespmem:s30+$0x10270] =	vst v0;
	v0 =	vld [tilespmem:s30+$0x8230]  }
0xd3: {  	v7 =	vld [tilespmem:s30+$0x8260]  }
0xd4: {  	[tilespmem:s30+$0x10200] =	vst v3;
	v2 =	vadd.f32 v2, v5;
	v3 =	vld [tilespmem:s30+$0x240]  }
0xd5: {  	v5 =	vld [tilespmem:s30+$0x8240]  }
0xd6: {  	[tilespmem:s30+$0x10210] =	vst v2;
	v1 =	vadd.f32 v1, v4;
	v2 =	vld [tilespmem:s30+$0x250]  }
0xd7: {  	v4 =	vld [tilespmem:s30+$0x8250]  }
0xd8: {  	[tilespmem:s30+$0x10220] =	vst v1;
	v1 =	vld [tilespmem:s30+$0x260];
	_ =	sdelay $0x1  }
0xd9: {  	v0 =	vadd.f32 v0, v6  }
0xda: {  	v3 =	vadd.f32 v5, v3  }
0xdb: {  	[tilespmem:s30+$0x10230] =	vst v0;
	v0 =	vadd.f32 v4, v2  }
0xdc: {  	[tilespmem:s30+$0x10240] =	vst v3;
	v1 =	vadd.f32 v7, v1  }
0xdd: {  	[tilespmem:s30+$0x10250] =	vst v0  }
0xde: {  	s29 =	simm.s32 $0x0;
	[tilespmem:s30+$0x10260] =	vst v1  }
0xdf: {  	[hbm4b:s8+s29] =	stream.linear.scatter [tilespmem:s19], [sflag:$0x5], $0x4000, $0x38;
	[tilespmem:$0x18200] =	vst v63  }
0xe0: {  	_ =	swait.ge [sflag:s20], $0x4000  }
0xe1: {  	[sflag:s20] =	ssyncset.done $0x0  }
0xe2: {  	[sflag:s20] =	ssyncadd.s32 $0xFFFFC000  }
0xe3: {  	_ =	swait.ge [sflag:s22], $0x4000  }
0xe4: {  	[sflag:s22] =	ssyncset.done $0x0  }
0xe5: {  	[sflag:s22] =	ssyncadd.s32 $0xFFFFC000  }
0xe6: {  	_ =	swait.ge [sflag:s23], $0x4000  }
0xe7: {  	[sflag:s23] =	ssyncset.done $0x0  }
0xe8: {  	s29 =	simm.s32 $0x0;
	[sflag:s23] =	ssyncadd.s32 $0xFFFFC000  }
0xe9: {  	v0 =	vld [tilespmem:s29+$0x4270]  }
0xea: {  	v1 =	vld [tilespmem:s29+$0xC270]  }
0xeb: {  	v2 =	vld [tilespmem:s29+$0x4200]  }
0xec: {  	v3 =	vld [tilespmem:s29+$0xC200]  }
0xed: {  	v4 =	vld [tilespmem:s29+$0x4210]  }
0xee: {  	v5 =	vld [tilespmem:s29+$0xC210]  }
0xef: {  	v6 =	vld [tilespmem:s29+$0x4220]  }
0xf0: {  	v7 =	vld [tilespmem:s29+$0x4230]  }
0xf1: {  	v0 =	vadd.f32 v1, v0;
	v1 =	vld [tilespmem:s29+$0xC220]  }
0xf2: {  	v8 =	vld [tilespmem:s29+$0xC230]  }
0xf3: {  	v9 =	vld [tilespmem:s29+$0xC240];
	v2 =	vadd.f32 v3, v2  }
0xf4: {  	[tilespmem:s29+$0x14270] =	vst v0;
	v0 =	vadd.f32 v5, v4;
	v5 =	vld [tilespmem:s29+$0x4240]  }
0xf5: {  	v3 =	vld [tilespmem:s29+$0xC250];
	[tilespmem:s29+$0x14200] =	vst v2  }
0xf6: {  	v2 =	vld [tilespmem:s29+$0x4250];
	[tilespmem:s29+$0x14210] =	vst v0;
	v0 =	vadd.f32 v1, v6  }
0xf7: {  	v4 =	vld [tilespmem:s29+$0xC260];
	v6 =	vadd.f32 v8, v7  }
0xf8: {  	s30 =	simm.s32 $0x80;
	[tilespmem:s29+$0x14220] =	vst v0;
	v0 =	vld [tilespmem:s29+$0x4260]  }
0xf9: {  	s31 =	simm.s32 $0x400;
	v5 =	vadd.f32 v9, v5;
	v1 =	vld [tilespmem:s30+$0x4270];
	[tilespmem:s29+$0x14230] =	vst v6  }
.LBB2_8:
0xfa: {  	p0 =	sne.s32 s31, $0xFE00;
	v6 =	vld [tilespmem:s30+$0xC270]  }
0xfb: {  	v7 =	vld [tilespmem:s30+$0x4200];
	[tilespmem:s29+$0x14240] =	vst v5;
	v2 =	vadd.f32 v3, v2  }
0xfc: {  	v3 =	vld [tilespmem:s30+$0xC200]  }
0xfd: {  	v5 =	vld [tilespmem:s30+$0x4210];
	[tilespmem:s29+$0x14250] =	vst v2;
	v0 =	vadd.f32 v4, v0  }
0xfe: {  	v2 =	vld [tilespmem:s30+$0xC210]  }
0xff: {  	v4 =	vld [tilespmem:s30+$0x4220];
	v1 =	vadd.f32 v6, v1;
	[tilespmem:s29+$0x14260] =	vst v0;
	s29 =	smov.u32 s30  }
0x100: {  	v0 =	vld [tilespmem:s29+$0xC220]  }
0x101: {  	v3 =	vadd.f32 v3, v7;
	v6 =	vld [tilespmem:s29+$0x4230];
	[tilespmem:s29+$0x14270] =	vst v1  }
0x102: {  	v1 =	vld [tilespmem:s29+$0xC230]  }
0x103: {  	[tilespmem:s29+$0x14200] =	vst v3;
	v2 =	vadd.f32 v2, v5;
	v5 =	vld [tilespmem:s29+$0x4240]  }
0x104: {  	v7 =	vld [tilespmem:s29+$0xC240]  }
.Ltmp3:
0x105: {  	[tilespmem:s29+$0x14210] =	vst v2;
	v0 =	vadd.f32 v0, v4;
	v2 =	vld [tilespmem:s29+$0x4250];
	(pc) =	sbr.rel @p0 .LBB2_8-.Ltmp3, $4  }
0x106: {  	v3 =	vld [tilespmem:s29+$0xC250]  }
0x107: {  	[tilespmem:s29+$0x14220] =	vst v0;
	v6 =	vadd.f32 v1, v6;
	v0 =	vld [tilespmem:s29+$0x4260]  }
0x108: {  	s30 =	sshra.s32 s31, $0x2;
	v4 =	vld [tilespmem:s29+$0xC260]  }
0x109: {  	s31 =	sadd.s32 $0x200, s31;
	v1 =	vld [tilespmem:s30+$0x4270];
	[tilespmem:s29+$0x14230] =	vst v6;
	v5 =	vadd.f32 v7, v5  }
0x10a: {  	v6 =	vld [tilespmem:s30+$0xC270]  }
0x10b: {  	v7 =	vld [tilespmem:s30+$0x4200];
	[tilespmem:s29+$0x14240] =	vst v5;
	v2 =	vadd.f32 v3, v2  }
0x10c: {  	v51 =	vld [tilespmem:s30+$0xC200]  }
0x10d: {  	v5 =	vld [tilespmem:s30+$0x4210];
	[tilespmem:s29+$0x14250] =	vst v2;
	v0 =	vadd.f32 v4, v0  }
0x10e: {  	v2 =	vld [tilespmem:s30+$0xC210]  }
0x10f: {  	v52 =	vld [tilespmem:s30+$0x4220];
	[tilespmem:s29+$0x14260] =	vst v0  }
0x110: {  	v54 =	vld [tilespmem:s30+$0xC220]  }
0x111: {  	v55 =	vld [tilespmem:s30+$0x4230]  }
0x112: {  	v56 =	vld [tilespmem:s30+$0xC230]  }
0x113: {  	v57 =	vld [tilespmem:s30+$0x4240]  }
0x114: {  	v58 =	vld [tilespmem:s30+$0xC240]  }
0x115: {  	v59 =	vld [tilespmem:s30+$0x4250]  }
0x116: {  	v53 =	vadd.f32 v6, v1;
	v60 =	vld [tilespmem:s30+$0xC250]  }
0x117: {  	v61 =	vld [tilespmem:s30+$0x4260];
	v3 =	vadd.f32 v51, v7  }
0x118: {  	v62 =	vld [tilespmem:s30+$0xC260];
	[tilespmem:s30+$0x14270] =	vst v53;
	v2 =	vadd.f32 v2, v5  }
0x119: {  	[tilespmem:s30+$0x14200] =	vst v3;
	v1 =	vadd.f32 v54, v52  }
0x11a: {  	[tilespmem:s30+$0x14210] =	vst v2;
	v0 =	vadd.f32 v56, v55  }
0x11b: {  	v3 =	vadd.f32 v58, v57;
	[tilespmem:s30+$0x14220] =	vst v1  }
0x11c: {  	v63 =	vadd.f32 v60, v59;
	[tilespmem:s30+$0x14230] =	vst v0  }
0x11d: {  	s28 =	sadd.s32 $0x1, s28;
	[tilespmem:s30+$0x14240] =	vst v3;
	v1 =	vadd.f32 v62, v61  }
0x11e: {  	p0 =	sne.s32 s28, s10;
	[tilespmem:s30+$0x14250] =	vst v63  }
.Ltmp4:
0x11f: {  	[tilespmem:s30+$0x14260] =	vst v1;
	(pc) =	sbr.rel @p0 .LBB2_1-.Ltmp4, $4  }
0x120: {  	[hbm4b:s9+s3] =	stream.linear.scatter [tilespmem:s24], [sflag:$0x6], $0x4000, $0x38;
	[tilespmem:$0x18200] =	vst v63  }
0x121: {  	_ =	swait.ge [sflag:s25], $0x4000  }
0x122: {  	[sflag:s25] =	ssyncset.done $0x0  }
0x123: {  	[sflag:s25] =	ssyncadd.s32 $0xFFFFC000  }
0x124: {  	_ =	sfence.sel $0x180000  }
0x125: {  	[bflag:$0x0] =	sbarrier.arrive $0xFFFF  }
0x126: {  	p0 =	sne.s32 s4, $0x0;
	_ =	strace $0x90000047  }
0x127: {  	s0 =	sadd.s32 @!p0 $0x100000, s0;
	[bflag:$0x2] =	sbarrier.arrive $0xFFFF  }
0x128: {  	[sflag:s0] =	ssyncadd.tile.s32 @!p0 $0x1;
	_ =	shalt  }
.Lfunc_end2:
_tile_overlayer_lowered:
.L_overlay_start_2:
0x129: {  	(tag) =	ssettag $0x2  }
0x12a: {  	s0 =	rddreg [dreg:$0x0];
	s2 =	stileid.u32  }
0x12b: {  	s1 =	rddreg [dreg:$0x1];
	p0 =	sne.s32 s2, $0x0  }
0x12c: {  	s3 =	rddreg [dreg:$0x2];
	[bflag:$0x3] =	sbarrier.arrive $0xFFFF;
	s2 =	simm.s32 @!p0 $0x1C07  }
0x12d: {  	[timem:s3], [sflag:s2] =	dma.local @!p0 [hbm:s0], s1  }
0x12e: {  	s0 =	simm.s32 @!p0 $0x7  }
0x12f: {  	_ =	swait.ge @!p0 [sflag:s0], s1  }
0x130: {  	s1 =	ssub.s32 @!p0 $0x0, s1;
	[sflag:s0] =	ssyncset.done @!p0 $0x0  }
0x131: {  	[sflag:s0] =	ssyncadd.s32 @!p0 s1  }
0x132: {  	[bflag:$0x3] =	sbarrier.arrive $0xFFFF  }
0x133: {  	_ =	shalt  }

</sc_bundles>
